<compile_context>
chip_gen: v7x
topology: tpu7x:2x2x1
jax: 0.10.2.dev20260603
libtpu: 0.0.44.dev20260713+nightly
codegen_flags: <defaults>
</compile_context>

<pallas_src>
import functools

import jax
import jax.numpy as jnp
from jax import lax
from jax.experimental import pallas as pl
from jax.experimental.pallas import tpu as pltpu
from jax.experimental.pallas import tpu_sc as plsc

N = 10000
D = 128
H = 128
E = 320000

NC = 2
NS = 16
NW = NC * NS
CHUNK = 64
T_PER_W = 160
KI = 80
NBUF = 4
CCHUNK = 128
CT_PER_W = 80
E_PAD = NW * T_PER_W * CHUNK
NP = 10112
RPS_ACC = NP // NS
RPS_OUT = 624
TAIL = N - NS * RPS_OUT

_mesh = plsc.VectorSubcoreMesh(core_axis_name="c", subcore_axis_name="s",
                               num_cores=NC, num_subcores=NS)


@functools.partial(
    pl.kernel,
    out_type=jax.ShapeDtypeStruct((NC, N, D), jnp.float32),
    mesh=_mesh,
    scratch_types=[
        pltpu.VMEM((KI, CHUNK), jnp.int32),
        [pltpu.VMEM((CHUNK,), jnp.int32) for _ in range(NBUF)],
        [pltpu.VMEM((CHUNK, D), jnp.float32) for _ in range(NBUF)],
        pltpu.VMEM_SHARED((NP, D), jnp.float32),
        [pltpu.SemaphoreType.DMA for _ in range(NBUF)],
        [pltpu.SemaphoreType.DMA for _ in range(NBUF)],
    ],
)
def _sc_agg(x_hbm, src_hbm, dstf_hbm, zf_hbm, parts_hbm,
            src_v, dsts, rows, acc, gsems, dsems):
    cid = lax.axis_index("c")
    sid = lax.axis_index("s")
    wid = sid * NC + cid
    ebase = wid * (T_PER_W * CHUNK)

    pltpu.sync_copy(zf_hbm.at[pl.ds(sid * RPS_ACC, RPS_ACC)],
                    acc.at[pl.ds(sid * RPS_ACC, RPS_ACC)])
    plsc.subcore_barrier()

    @pl.loop(0, T_PER_W, step=KI)
    def _(t0):
        pltpu.sync_copy(src_hbm.at[wid, pl.ds(t0, KI)], src_v)

        for b in range(NBUF):
            pltpu.async_copy(x_hbm.at[src_v.at[b]], rows[b], gsems[b])
            pltpu.async_copy(
                dstf_hbm.at[pl.ds(ebase + (t0 + b) * CHUNK, CHUNK)],
                dsts[b], dsems[b])

        @pl.loop(0, KI, step=NBUF)
        def _(j):
            for b in range(NBUF):
                pltpu.make_async_copy(x_hbm.at[src_v.at[j + b]], rows[b],
                                      gsems[b]).wait()
                pltpu.make_async_copy(
                    dstf_hbm.at[pl.ds(ebase + (t0 + j + b) * CHUNK, CHUNK)],
                    dsts[b], dsems[b]).wait()
                pltpu.sync_copy(rows[b], acc.at[dsts[b]], add=True)

                @pl.when(j + b + NBUF < KI)
                def _(b=b):
                    pltpu.async_copy(x_hbm.at[src_v.at[j + b + NBUF]],
                                     rows[b], gsems[b])
                    pltpu.async_copy(
                        dstf_hbm.at[pl.ds(
                            ebase + (t0 + j + b + NBUF) * CHUNK, CHUNK)],
                        dsts[b], dsems[b])

    plsc.subcore_barrier()
    pltpu.sync_copy(acc.at[pl.ds(sid * RPS_OUT, RPS_OUT)],
                    parts_hbm.at[cid, pl.ds(sid * RPS_OUT, RPS_OUT)])

    @pl.when(sid == 0)
    def _():
        pltpu.sync_copy(acc.at[pl.ds(NS * RPS_OUT, TAIL)],
                        parts_hbm.at[cid, pl.ds(NS * RPS_OUT, TAIL)])


@functools.partial(
    pl.kernel,
    out_type=jax.ShapeDtypeStruct((NC, N, D), jnp.float32),
    mesh=_mesh,
    scratch_types=[
        pltpu.VMEM((CCHUNK,), jnp.int32),
        pltpu.VMEM((CCHUNK,), jnp.int32),
        pltpu.VMEM((CCHUNK, D), jnp.float32),
        pltpu.VMEM_SHARED((NP, D), jnp.float32),
        pltpu.SemaphoreType.DMA,
        pltpu.SemaphoreType.DMA,
    ],
)
def _sc_counts(dstf_hbm, zc_hbm, ones_hbm, cnts_hbm, dst0, dst1, ones_v,
               cacc, semd0, semd1):
    cid = lax.axis_index("c")
    sid = lax.axis_index("s")
    wid = sid * NC + cid
    ebase = wid * (CT_PER_W * CCHUNK)

    pltpu.sync_copy(zc_hbm.at[pl.ds(sid * RPS_ACC, RPS_ACC)],
                    cacc.at[pl.ds(sid * RPS_ACC, RPS_ACC)])
    pltpu.sync_copy(ones_hbm, ones_v)
    plsc.subcore_barrier()

    @pl.loop(0, CT_PER_W, step=2)
    def _(t):
        d0 = pltpu.async_copy(dstf_hbm.at[pl.ds(ebase + t * CCHUNK, CCHUNK)],
                              dst0, semd0)
        d1 = pltpu.async_copy(
            dstf_hbm.at[pl.ds(ebase + (t + 1) * CCHUNK, CCHUNK)], dst1, semd1)
        d0.wait()
        pltpu.sync_copy(ones_v, cacc.at[dst0], add=True)
        d1.wait()
        pltpu.sync_copy(ones_v, cacc.at[dst1], add=True)

    plsc.subcore_barrier()
    pltpu.sync_copy(cacc.at[pl.ds(sid * RPS_OUT, RPS_OUT)],
                    cnts_hbm.at[cid, pl.ds(sid * RPS_OUT, RPS_OUT)])

    @pl.when(sid == 0)
    def _():
        pltpu.sync_copy(cacc.at[pl.ds(NS * RPS_OUT, TAIL)],
                        cnts_hbm.at[cid, pl.ds(NS * RPS_OUT, TAIL)])


BR = 1000
_PREC = lax.Precision.HIGHEST


def _dense1_body(parts_ref, cnts_ref, x_ref, wl_ref, b_ref, wr_ref, o_ref):
    p = parts_ref[0] + parts_ref[1]
    c = cnts_ref[0, :, 0:1] + cnts_ref[1, :, 0:1]
    mean = p / jnp.maximum(c, 1.0)
    h = (jnp.dot(mean, wl_ref[...], precision=_PREC,
                 preferred_element_type=jnp.float32)
         + b_ref[...]
         + jnp.dot(x_ref[...], wr_ref[...], precision=_PREC,
                   preferred_element_type=jnp.float32))
    o_ref[...] = jnp.maximum(h, 0.0)


def _dense2_body(parts_ref, cnts_ref, h1_ref, x_ref, wl_ref, b_ref, wr_ref,
                 wo_ref, bo_ref, o_ref):
    p = parts_ref[0] + parts_ref[1]
    c = cnts_ref[0, :, 0:1] + cnts_ref[1, :, 0:1]
    mean = p / jnp.maximum(c, 1.0)
    h2 = (jnp.dot(mean, wl_ref[...], precision=_PREC,
                  preferred_element_type=jnp.float32)
          + b_ref[...]
          + jnp.dot(h1_ref[...], wr_ref[...], precision=_PREC,
                    preferred_element_type=jnp.float32))
    h2 = jnp.maximum(h2, 0.0)
    out = x_ref[...] + jnp.dot(h2, wo_ref[...], precision=_PREC,
                               preferred_element_type=jnp.float32) + bo_ref[...]
    o_ref[...] = jnp.maximum(out, 0.0)


_spec_parts = pl.BlockSpec((NC, BR, D), lambda i: (0, i, 0))
_spec_cnts = pl.BlockSpec((NC, BR, D), lambda i: (0, i, 0))
_spec_rows = pl.BlockSpec((BR, D), lambda i: (i, 0))
_spec_w = pl.BlockSpec((D, H), lambda i: (0, 0))
_spec_b = pl.BlockSpec((1, H), lambda i: (0, 0))

_dense1 = pl.pallas_call(
    _dense1_body,
    grid=(N // BR,),
    in_specs=[_spec_parts, _spec_cnts, _spec_rows, _spec_w, _spec_b, _spec_w],
    out_specs=_spec_rows,
    out_shape=jax.ShapeDtypeStruct((N, H), jnp.float32),
)

_dense2 = pl.pallas_call(
    _dense2_body,
    grid=(N // BR,),
    in_specs=[_spec_parts, _spec_cnts, _spec_rows, _spec_rows, _spec_w,
              _spec_b, _spec_w, _spec_w, _spec_b],
    out_specs=_spec_rows,
    out_shape=jax.ShapeDtypeStruct((N, D), jnp.float32),
)


@jax.jit
def kernel(x, edge_index, W1l, b1l, W1r, W2l, b2l, W2r, Wout, bout):
    src = edge_index[0].astype(jnp.int32)
    dst = edge_index[1].astype(jnp.int32)
    pad = E_PAD - E
    pad_iota = jnp.arange(pad, dtype=jnp.int32)
    src_p = jnp.concatenate([src, pad_iota % N])
    dst_p = jnp.concatenate([dst, N + (pad_iota % (NP - N))])
    src_r = src_p.reshape(NW, T_PER_W, CHUNK)
    zf = jnp.zeros((NP, D), jnp.float32)

    cnts = _sc_counts(dst_p, zf, jnp.ones((CCHUNK, D), jnp.float32))
    parts1 = _sc_agg(x, src_r, dst_p, zf)
    h1 = _dense1(parts1, cnts, x, W1l.T, b1l.reshape(1, H), W1r.T)
    parts2 = _sc_agg(h1, src_r, dst_p, zf)
    out = _dense2(parts2, cnts, h1, x, W2l.T, b2l.reshape(1, H), W2r.T,
                  Wout.T, bout.reshape(1, D))
    return out

# --- scband reference (transcript-rebuilt; emitter-appended) ---
"""Pipeline reference for scband-etwin-gnn-64613488001598 (READ-ONLY COPY).

The authoritative reference and input builder live on the scoring server;
editing this copy changes nothing except your own understanding.
"""

import jax, jax.numpy as jnp
import numpy as np

N = 10000
D = 128
H = 128
E = 320000


def setup_inputs(seed: int = 0) -> dict:
    key = jax.random.key(seed)
    ks = jax.random.split(key, 12)
    x = jax.random.normal(ks[0], (N, D), dtype=jnp.float32)
    edge_index = jax.random.randint(ks[1], (2, E), 0, N, dtype=jnp.int32)
    s = 0.05
    # SAGEConv1: lin_l applied to aggregated neighbors (with bias), lin_r applied to root (no bias)
    W1l = jax.random.normal(ks[2], (H, D), dtype=jnp.float32) * s
    b1l = jax.random.normal(ks[3], (H,), dtype=jnp.float32) * s
    W1r = jax.random.normal(ks[4], (H, D), dtype=jnp.float32) * s
    # SAGEConv2
    W2l = jax.random.normal(ks[5], (H, H), dtype=jnp.float32) * s
    b2l = jax.random.normal(ks[6], (H,), dtype=jnp.float32) * s
    W2r = jax.random.normal(ks[7], (H, H), dtype=jnp.float32) * s
    # out_linear: hidden -> num_node_features
    Wout = jax.random.normal(ks[8], (D, H), dtype=jnp.float32) * s
    bout = jax.random.normal(ks[9], (D,), dtype=jnp.float32) * s
    return {"x": x, "edge_index": edge_index, "W1l": W1l, "b1l": b1l, "W1r": W1r,
            "W2l": W2l, "b2l": b2l, "W2r": W2r, "Wout": Wout, "bout": bout}


def _sage_conv(x, edge_index, Wl, bl, Wr):
    # PyG SAGEConv with mean aggregation:
    # out = lin_l(mean_{j in N(i)} x_j) + lin_r(x_i)
    src = edge_index[0]
    dst = edge_index[1]
    msg = jnp.take(x, src, axis=0)                      # gather (SparseCore)
    agg = jax.ops.segment_sum(msg, dst, num_segments=x.shape[0])   # scatter-add
    cnt = jax.ops.segment_sum(jnp.ones((edge_index.shape[1],), dtype=x.dtype), dst,
                              num_segments=x.shape[0])
    mean = agg / jnp.clip(cnt, 1.0, None)[:, None]
    return mean @ Wl.T + bl + x @ Wr.T


def reference(x, edge_index, W1l, b1l, W1r, W2l, b2l, W2r, Wout, bout):
    h = _sage_conv(x, edge_index, W1l, b1l, W1r)
    h = jax.nn.relu(h)
    # dropout p=0.2 is identity in eval mode (training=False)
    h = _sage_conv(h, edge_index, W2l, b2l, W2r)
    h = jax.nn.relu(h)
    state_delta = h @ Wout.T + bout
    new_state = x + state_delta
    new_state = jax.nn.relu(new_state)
    return new_state

if __name__ == "__main__":
    import jax
    _d = setup_inputs()
    print(jax.jit(kernel)(*tuple(_d.values())))

</pallas_src>

<mosaic_0001>
#map = affine_map<(d0, d1) -> (0, 0)>
#map1 = affine_map<(d0, d1) -> (0, 0, 0)>
#map2 = affine_map<(d0, d1) -> (0)>
module attributes {stable_mosaic.version = 14 : i64} {
  func.func @_sc_agg(%arg0: i32, %arg1: i32, %arg2: memref<10000x128xf32, #tpu.memory_space<hbm>>, %arg3: memref<32x160x64xi32, #tpu.memory_space<hbm>>, %arg4: memref<327680xi32, #tpu.memory_space<hbm>>, %arg5: memref<10112x128xf32, #tpu.memory_space<hbm>>, %arg6: memref<2x10000x128xf32, #tpu.memory_space<hbm>>, %arg7: memref<80x64xi32, #tpu.memory_space<vmem>>, %arg8: memref<64xi32, #tpu.memory_space<vmem>>, %arg9: memref<64xi32, #tpu.memory_space<vmem>>, %arg10: memref<64xi32, #tpu.memory_space<vmem>>, %arg11: memref<64xi32, #tpu.memory_space<vmem>>, %arg12: memref<64x128xf32, #tpu.memory_space<vmem>>, %arg13: memref<64x128xf32, #tpu.memory_space<vmem>>, %arg14: memref<64x128xf32, #tpu.memory_space<vmem>>, %arg15: memref<64x128xf32, #tpu.memory_space<vmem>>, %arg16: memref<10112x128xf32, #tpu.memory_space<vmem_shared>>, %arg17: memref<!tpu.dma_semaphore, #tpu.memory_space<semaphore_mem>>, %arg18: memref<!tpu.dma_semaphore, #tpu.memory_space<semaphore_mem>>, %arg19: memref<!tpu.dma_semaphore, #tpu.memory_space<semaphore_mem>>, %arg20: memref<!tpu.dma_semaphore, #tpu.memory_space<semaphore_mem>>, %arg21: memref<!tpu.dma_semaphore, #tpu.memory_space<semaphore_mem>>, %arg22: memref<!tpu.dma_semaphore, #tpu.memory_space<semaphore_mem>>, %arg23: memref<!tpu.dma_semaphore, #tpu.memory_space<semaphore_mem>>, %arg24: memref<!tpu.dma_semaphore, #tpu.memory_space<semaphore_mem>>) attributes {dimension_semantics = [#tpu.dimension_semantics<core_parallel>, #tpu.dimension_semantics<subcore_parallel>], iteration_bounds = array<i64: 2, 16>, scalar_prefetch = 0 : i64, scratch_operands = 18 : i64, tpu.core_type = #tpu.core_type<sc_vector_subcore>, window_params = [{transform_indices = #map}, {transform_indices = #map1}, {transform_indices = #map2}, {transform_indices = #map}, {transform_indices = #map1}]} {
    %mul3A = arith.constant 2 : i32
    %mul3A_0 = arith.muli %arg1, %mul3A : i32
    %add3A = arith.addi %mul3A_0, %arg0 : i32
    %mul3A_1 = arith.constant 10240 : i32
    %mul3A_2 = arith.muli %add3A, %mul3A_1 : i32
    %mul3A_3 = arith.constant 632 : i32
    %mul3A_4 = arith.muli %arg1, %mul3A_3 : i32
    %mul3A_5 = arith.constant 632 : i32
    %mul3A_6 = arith.muli %arg1, %mul3A_5 : i32
    "tpu.region"() ({
      %run_scoped3A = tpu.sem_alloc : memref<!tpu.dma_semaphore, #tpu.memory_space<semaphore_mem>>
      %dma_start3A = arith.constant 0 : i32
      %dma_start3A_18 = tpu.memref_slice %arg16[%mul3A_6, %dma_start3A] : memref<10112x128xf32, #tpu.memory_space<vmem_shared>> -> memref<632x128xf32, #tpu.memory_space<vmem_shared>>
      %dma_start3A_19 = arith.constant 0 : i32
      %dma_start3A_20 = tpu.memref_slice %arg5[%mul3A_4, %dma_start3A_19] : memref<10112x128xf32, #tpu.memory_space<hbm>> -> memref<632x128xf32, #tpu.memory_space<hbm>>
      tpu.enqueue_dma source(%dma_start3A_20 : memref<632x128xf32, #tpu.memory_space<hbm>>) target(%dma_start3A_18 : memref<632x128xf32, #tpu.memory_space<vmem_shared>>) target_semaphore(%run_scoped3A : memref<!tpu.dma_semaphore, #tpu.memory_space<semaphore_mem>>)
      %dma_wait3A = arith.constant 0 : i32
      %dma_wait3A_21 = tpu.memref_slice %arg16[%mul3A_6, %dma_wait3A] : memref<10112x128xf32, #tpu.memory_space<vmem_shared>> -> memref<632x128xf32, #tpu.memory_space<vmem_shared>>
      %dma_wait3A_22 = arith.constant 0 : i32
      %dma_wait3A_23 = tpu.memref_slice %arg5[%mul3A_4, %dma_wait3A_22] : memref<10112x128xf32, #tpu.memory_space<hbm>> -> memref<632x128xf32, #tpu.memory_space<hbm>>
      tpu.wait_dma2 semaphore(%run_scoped3A : memref<!tpu.dma_semaphore, #tpu.memory_space<semaphore_mem>>) src(%dma_wait3A_23 : memref<632x128xf32, #tpu.memory_space<hbm>>) dst(%dma_wait3A_21 : memref<632x128xf32, #tpu.memory_space<vmem_shared>>)
      tpu.yield
    }) : () -> ()
    %barrier3A = arith.constant 0 : index
    tpu.barrier barrier_id(%barrier3A)
    %scan3A = arith.constant 0 : i32
    %scan3A_7 = arith.constant 2 : i32
    %scan3A_8 = arith.addi %scan3A, %scan3A_7 : i32
    %scan3A_9 = arith.constant 1 : i32
    scf.for %scan3A_18 = %scan3A to %scan3A_8 step %scan3A_9  : i32 {
      %mul3A_19 = arith.constant 80 : i32
      %mul3A_20 = arith.muli %scan3A_18, %mul3A_19 : i32
      %add3A_21 = arith.constant 0 : i32
      %add3A_22 = arith.addi %add3A_21, %mul3A_20 : i32
      "tpu.region"() ({
        %run_scoped3A = tpu.sem_alloc : memref<!tpu.dma_semaphore, #tpu.memory_space<semaphore_mem>>
        %dma_start3A_83 = arith.constant 0 : i32
        %dma_start3A_84 = tpu.memref_slice %arg3[%add3A, %add3A_22, %dma_start3A_83] : memref<32x160x64xi32, #tpu.memory_space<hbm>> -> memref<1x80x64xi32, #tpu.memory_space<hbm>>
        %dma_start3A_85 = tpu.memref_squeeze %dma_start3A_84 : memref<1x80x64xi32, #tpu.memory_space<hbm>> -> memref<80x64xi32, #tpu.memory_space<hbm>>
        %dma_start3A_86 = arith.constant 0 : i32
        %dma_start3A_87 = tpu.memref_slice %arg3[%add3A, %add3A_22, %dma_start3A_86] : memref<32x160x64xi32, #tpu.memory_space<hbm>> -> memref<1x80x64xi32, #tpu.memory_space<hbm>>
        %dma_start3A_88 = tpu.memref_squeeze %dma_start3A_87 : memref<1x80x64xi32, #tpu.memory_space<hbm>> -> memref<80x64xi32, #tpu.memory_space<hbm>>
        tpu.enqueue_dma source(%dma_start3A_88 : memref<80x64xi32, #tpu.memory_space<hbm>>) target(%arg7 : memref<80x64xi32, #tpu.memory_space<vmem>>) target_semaphore(%run_scoped3A : memref<!tpu.dma_semaphore, #tpu.memory_space<semaphore_mem>>)
        %dma_wait3A = arith.constant 0 : i32
        %dma_wait3A_89 = tpu.memref_slice %arg3[%add3A, %add3A_22, %dma_wait3A] : memref<32x160x64xi32, #tpu.memory_space<hbm>> -> memref<1x80x64xi32, #tpu.memory_space<hbm>>
        %dma_wait3A_90 = tpu.memref_squeeze %dma_wait3A_89 : memref<1x80x64xi32, #tpu.memory_space<hbm>> -> memref<80x64xi32, #tpu.memory_space<hbm>>
        %dma_wait3A_91 = arith.constant 0 : i32
        %dma_wait3A_92 = tpu.memref_slice %arg3[%add3A, %add3A_22, %dma_wait3A_91] : memref<32x160x64xi32, #tpu.memory_space<hbm>> -> memref<1x80x64xi32, #tpu.memory_space<hbm>>
        %dma_wait3A_93 = tpu.memref_squeeze %dma_wait3A_92 : memref<1x80x64xi32, #tpu.memory_space<hbm>> -> memref<80x64xi32, #tpu.memory_space<hbm>>
        tpu.wait_dma2 semaphore(%run_scoped3A : memref<!tpu.dma_semaphore, #tpu.memory_space<semaphore_mem>>) src(%dma_wait3A_93 : memref<80x64xi32, #tpu.memory_space<hbm>>) dst(%arg7 : memref<80x64xi32, #tpu.memory_space<vmem>>)
        tpu.yield
      }) : () -> ()
      %dma_start3A = arith.constant 0 : i32
      %dma_start3A_23 = arith.constant 0 : i32
      %dma_start3A_24 = tpu.memref_slice %arg7[%dma_start3A, %dma_start3A_23] : memref<80x64xi32, #tpu.memory_space<vmem>> -> memref<1x64xi32, #tpu.memory_space<vmem>>
      %dma_start3A_25 = tpu.memref_squeeze %dma_start3A_24 : memref<1x64xi32, #tpu.memory_space<vmem>> -> memref<64xi32, #tpu.memory_space<vmem>>
      %dma_start3A_26 = arith.constant 0 : i32
      %dma_start3A_27 = arith.constant 0 : i32
      %dma_start3A_28 = tpu.memref_slice %arg2[%dma_start3A_26, %dma_start3A_27] : memref<10000x128xf32, #tpu.memory_space<hbm>> -> memref<10000x128xf32, #tpu.memory_space<hbm>>
      tpu.enqueue_indirect_dma source(%dma_start3A_28 : memref<10000x128xf32, #tpu.memory_space<hbm>>) target(%arg12 : memref<64x128xf32, #tpu.memory_space<vmem>>) offsets(%dma_start3A_25 : memref<64xi32, #tpu.memory_space<vmem>>) semaphore(%arg17 : memref<!tpu.dma_semaphore, #tpu.memory_space<semaphore_mem>>)
      %add3A_29 = arith.constant 0 : i32
      %add3A_30 = arith.addi %add3A_22, %add3A_29 : i32
      %mul3A_31 = arith.constant 64 : i32
      %mul3A_32 = arith.muli %add3A_30, %mul3A_31 : i32
      %add3A_33 = arith.addi %mul3A_2, %mul3A_32 : i32
      %dma_start3A_34 = tpu.memref_slice %arg4[%add3A_33] : memref<327680xi32, #tpu.memory_space<hbm>> -> memref<64xi32, #tpu.memory_space<hbm>>
      %dma_start3A_35 = tpu.memref_slice %arg4[%add3A_33] : memref<327680xi32, #tpu.memory_space<hbm>> -> memref<64xi32, #tpu.memory_space<hbm>>
      tpu.enqueue_dma source(%dma_start3A_35 : memref<64xi32, #tpu.memory_space<hbm>>) target(%arg8 : memref<64xi32, #tpu.memory_space<vmem>>) target_semaphore(%arg21 : memref<!tpu.dma_semaphore, #tpu.memory_space<semaphore_mem>>)
      %dma_start3A_36 = arith.constant 1 : i32
      %dma_start3A_37 = arith.constant 0 : i32
      %dma_start3A_38 = tpu.memref_slice %arg7[%dma_start3A_36, %dma_start3A_37] : memref<80x64xi32, #tpu.memory_space<vmem>> -> memref<1x64xi32, #tpu.memory_space<vmem>>
      %dma_start3A_39 = tpu.memref_squeeze %dma_start3A_38 : memref<1x64xi32, #tpu.memory_space<vmem>> -> memref<64xi32, #tpu.memory_space<vmem>>
      %dma_start3A_40 = arith.constant 0 : i32
      %dma_start3A_41 = arith.constant 0 : i32
      %dma_start3A_42 = tpu.memref_slice %arg2[%dma_start3A_40, %dma_start3A_41] : memref<10000x128xf32, #tpu.memory_space<hbm>> -> memref<10000x128xf32, #tpu.memory_space<hbm>>
      tpu.enqueue_indirect_dma source(%dma_start3A_42 : memref<10000x128xf32, #tpu.memory_space<hbm>>) target(%arg13 : memref<64x128xf32, #tpu.memory_space<vmem>>) offsets(%dma_start3A_39 : memref<64xi32, #tpu.memory_space<vmem>>) semaphore(%arg18 : memref<!tpu.dma_semaphore, #tpu.memory_space<semaphore_mem>>)
      %add3A_43 = arith.constant 1 : i32
      %add3A_44 = arith.addi %add3A_22, %add3A_43 : i32
      %mul3A_45 = arith.constant 64 : i32
      %mul3A_46 = arith.muli %add3A_44, %mul3A_45 : i32
      %add3A_47 = arith.addi %mul3A_2, %mul3A_46 : i32
      %dma_start3A_48 = tpu.memref_slice %arg4[%add3A_47] : memref<327680xi32, #tpu.memory_space<hbm>> -> memref<64xi32, #tpu.memory_space<hbm>>
      %dma_start3A_49 = tpu.memref_slice %arg4[%add3A_47] : memref<327680xi32, #tpu.memory_space<hbm>> -> memref<64xi32, #tpu.memory_space<hbm>>
      tpu.enqueue_dma source(%dma_start3A_49 : memref<64xi32, #tpu.memory_space<hbm>>) target(%arg9 : memref<64xi32, #tpu.memory_space<vmem>>) target_semaphore(%arg22 : memref<!tpu.dma_semaphore, #tpu.memory_space<semaphore_mem>>)
      %dma_start3A_50 = arith.constant 2 : i32
      %dma_start3A_51 = arith.constant 0 : i32
      %dma_start3A_52 = tpu.memref_slice %arg7[%dma_start3A_50, %dma_start3A_51] : memref<80x64xi32, #tpu.memory_space<vmem>> -> memref<1x64xi32, #tpu.memory_space<vmem>>
      %dma_start3A_53 = tpu.memref_squeeze %dma_start3A_52 : memref<1x64xi32, #tpu.memory_space<vmem>> -> memref<64xi32, #tpu.memory_space<vmem>>
      %dma_start3A_54 = arith.constant 0 : i32
      %dma_start3A_55 = arith.constant 0 : i32
      %dma_start3A_56 = tpu.memref_slice %arg2[%dma_start3A_54, %dma_start3A_55] : memref<10000x128xf32, #tpu.memory_space<hbm>> -> memref<10000x128xf32, #tpu.memory_space<hbm>>
      tpu.enqueue_indirect_dma source(%dma_start3A_56 : memref<10000x128xf32, #tpu.memory_space<hbm>>) target(%arg14 : memref<64x128xf32, #tpu.memory_space<vmem>>) offsets(%dma_start3A_53 : memref<64xi32, #tpu.memory_space<vmem>>) semaphore(%arg19 : memref<!tpu.dma_semaphore, #tpu.memory_space<semaphore_mem>>)
      %add3A_57 = arith.constant 2 : i32
      %add3A_58 = arith.addi %add3A_22, %add3A_57 : i32
      %mul3A_59 = arith.constant 64 : i32
      %mul3A_60 = arith.muli %add3A_58, %mul3A_59 : i32
      %add3A_61 = arith.addi %mul3A_2, %mul3A_60 : i32
      %dma_start3A_62 = tpu.memref_slice %arg4[%add3A_61] : memref<327680xi32, #tpu.memory_space<hbm>> -> memref<64xi32, #tpu.memory_space<hbm>>
      %dma_start3A_63 = tpu.memref_slice %arg4[%add3A_61] : memref<327680xi32, #tpu.memory_space<hbm>> -> memref<64xi32, #tpu.memory_space<hbm>>
      tpu.enqueue_dma source(%dma_start3A_63 : memref<64xi32, #tpu.memory_space<hbm>>) target(%arg10 : memref<64xi32, #tpu.memory_space<vmem>>) target_semaphore(%arg23 : memref<!tpu.dma_semaphore, #tpu.memory_space<semaphore_mem>>)
      %dma_start3A_64 = arith.constant 3 : i32
      %dma_start3A_65 = arith.constant 0 : i32
      %dma_start3A_66 = tpu.memref_slice %arg7[%dma_start3A_64, %dma_start3A_65] : memref<80x64xi32, #tpu.memory_space<vmem>> -> memref<1x64xi32, #tpu.memory_space<vmem>>
      %dma_start3A_67 = tpu.memref_squeeze %dma_start3A_66 : memref<1x64xi32, #tpu.memory_space<vmem>> -> memref<64xi32, #tpu.memory_space<vmem>>
      %dma_start3A_68 = arith.constant 0 : i32
      %dma_start3A_69 = arith.constant 0 : i32
      %dma_start3A_70 = tpu.memref_slice %arg2[%dma_start3A_68, %dma_start3A_69] : memref<10000x128xf32, #tpu.memory_space<hbm>> -> memref<10000x128xf32, #tpu.memory_space<hbm>>
      tpu.enqueue_indirect_dma source(%dma_start3A_70 : memref<10000x128xf32, #tpu.memory_space<hbm>>) target(%arg15 : memref<64x128xf32, #tpu.memory_space<vmem>>) offsets(%dma_start3A_67 : memref<64xi32, #tpu.memory_space<vmem>>) semaphore(%arg20 : memref<!tpu.dma_semaphore, #tpu.memory_space<semaphore_mem>>)
      %add3A_71 = arith.constant 3 : i32
      %add3A_72 = arith.addi %add3A_22, %add3A_71 : i32
      %mul3A_73 = arith.constant 64 : i32
      %mul3A_74 = arith.muli %add3A_72, %mul3A_73 : i32
      %add3A_75 = arith.addi %mul3A_2, %mul3A_74 : i32
      %dma_start3A_76 = tpu.memref_slice %arg4[%add3A_75] : memref<327680xi32, #tpu.memory_space<hbm>> -> memref<64xi32, #tpu.memory_space<hbm>>
      %dma_start3A_77 = tpu.memref_slice %arg4[%add3A_75] : memref<327680xi32, #tpu.memory_space<hbm>> -> memref<64xi32, #tpu.memory_space<hbm>>
      tpu.enqueue_dma source(%dma_start3A_77 : memref<64xi32, #tpu.memory_space<hbm>>) target(%arg11 : memref<64xi32, #tpu.memory_space<vmem>>) target_semaphore(%arg24 : memref<!tpu.dma_semaphore, #tpu.memory_space<semaphore_mem>>)
      %scan3A_78 = arith.constant 0 : i32
      %scan3A_79 = arith.constant 20 : i32
      %scan3A_80 = arith.addi %scan3A_78, %scan3A_79 : i32
      %scan3A_81 = arith.constant 1 : i32
      scf.for %scan3A_83 = %scan3A_78 to %scan3A_80 step %scan3A_81  : i32 {
        %mul3A_84 = arith.constant 4 : i32
        %mul3A_85 = arith.muli %scan3A_83, %mul3A_84 : i32
        %add3A_86 = arith.constant 0 : i32
        %add3A_87 = arith.addi %add3A_86, %mul3A_85 : i32
        %add3A_88 = arith.constant 0 : i32
        %add3A_89 = arith.addi %add3A_87, %add3A_88 : i32
        %dma_wait3A = arith.constant 0 : i32
        %dma_wait3A_90 = tpu.memref_slice %arg7[%add3A_89, %dma_wait3A] : memref<80x64xi32, #tpu.memory_space<vmem>> -> memref<1x64xi32, #tpu.memory_space<vmem>>
        %dma_wait3A_91 = tpu.memref_squeeze %dma_wait3A_90 : memref<1x64xi32, #tpu.memory_space<vmem>> -> memref<64xi32, #tpu.memory_space<vmem>>
        %dma_wait3A_92 = arith.constant 0 : i32
        %dma_wait3A_93 = arith.constant 0 : i32
        %dma_wait3A_94 = tpu.memref_slice %arg2[%dma_wait3A_92, %dma_wait3A_93] : memref<10000x128xf32, #tpu.memory_space<hbm>> -> memref<10000x128xf32, #tpu.memory_space<hbm>>
        tpu.wait_indirect_dma semaphore(%arg17 : memref<!tpu.dma_semaphore, #tpu.memory_space<semaphore_mem>>) src(%dma_wait3A_94 : memref<10000x128xf32, #tpu.memory_space<hbm>>) dst(%arg12 : memref<64x128xf32, #tpu.memory_space<vmem>>)
        %add3A_95 = arith.addi %add3A_22, %add3A_87 : i32
        %add3A_96 = arith.constant 0 : i32
        %add3A_97 = arith.addi %add3A_95, %add3A_96 : i32
        %mul3A_98 = arith.constant 64 : i32
        %mul3A_99 = arith.muli %add3A_97, %mul3A_98 : i32
        %add3A_100 = arith.addi %mul3A_2, %mul3A_99 : i32
        %dma_wait3A_101 = tpu.memref_slice %arg4[%add3A_100] : memref<327680xi32, #tpu.memory_space<hbm>> -> memref<64xi32, #tpu.memory_space<hbm>>
        %dma_wait3A_102 = tpu.memref_slice %arg4[%add3A_100] : memref<327680xi32, #tpu.memory_space<hbm>> -> memref<64xi32, #tpu.memory_space<hbm>>
        tpu.wait_dma2 semaphore(%arg21 : memref<!tpu.dma_semaphore, #tpu.memory_space<semaphore_mem>>) src(%dma_wait3A_102 : memref<64xi32, #tpu.memory_space<hbm>>) dst(%arg8 : memref<64xi32, #tpu.memory_space<vmem>>)
        "tpu.region"() ({
          %run_scoped3A = tpu.sem_alloc : memref<!tpu.dma_semaphore, #tpu.memory_space<semaphore_mem>>
          %dma_start3A_186 = arith.constant 0 : i32
          %dma_start3A_187 = arith.constant 0 : i32
          %dma_start3A_188 = tpu.memref_slice %arg16[%dma_start3A_186, %dma_start3A_187] : memref<10112x128xf32, #tpu.memory_space<vmem_shared>> -> memref<10112x128xf32, #tpu.memory_space<vmem_shared>>
          tpu.enqueue_indirect_dma source(%arg12 : memref<64x128xf32, #tpu.memory_space<vmem>>) target(%dma_start3A_188 : memref<10112x128xf32, #tpu.memory_space<vmem_shared>>) offsets(%arg8 : memref<64xi32, #tpu.memory_space<vmem>>) semaphore(%run_scoped3A : memref<!tpu.dma_semaphore, #tpu.memory_space<semaphore_mem>>) {add = true}
          %dma_wait3A_189 = arith.constant 0 : i32
          %dma_wait3A_190 = arith.constant 0 : i32
          %dma_wait3A_191 = tpu.memref_slice %arg16[%dma_wait3A_189, %dma_wait3A_190] : memref<10112x128xf32, #tpu.memory_space<vmem_shared>> -> memref<10112x128xf32, #tpu.memory_space<vmem_shared>>
          tpu.wait_indirect_dma semaphore(%run_scoped3A : memref<!tpu.dma_semaphore, #tpu.memory_space<semaphore_mem>>) src(%arg12 : memref<64x128xf32, #tpu.memory_space<vmem>>) dst(%dma_wait3A_191 : memref<10112x128xf32, #tpu.memory_space<vmem_shared>>)
          tpu.yield
        }) : () -> ()
        %add3A_103 = arith.constant 0 : i32
        %add3A_104 = arith.addi %add3A_87, %add3A_103 : i32
        %add3A_105 = arith.constant 4 : i32
        %add3A_106 = arith.addi %add3A_104, %add3A_105 : i32
        %lt3A = arith.constant 80 : i32
        %lt3A_107 = arith.cmpi slt, %add3A_106, %lt3A : i32
        %convert_element_type3A_108 = arith.extui %lt3A_107 : i1 to i32
        %cond3A_109 = arith.constant 0 : i32
        %cond3A_110 = arith.cmpi ne, %convert_element_type3A_108, %cond3A_109 : i32
        scf.if %cond3A_110 {
          %add3A_186 = arith.constant 0 : i32
          %add3A_187 = arith.addi %add3A_87, %add3A_186 : i32
          %add3A_188 = arith.constant 4 : i32
          %add3A_189 = arith.addi %add3A_187, %add3A_188 : i32
          %dma_start3A_190 = arith.constant 0 : i32
          %dma_start3A_191 = tpu.memref_slice %arg7[%add3A_189, %dma_start3A_190] : memref<80x64xi32, #tpu.memory_space<vmem>> -> memref<1x64xi32, #tpu.memory_space<vmem>>
          %dma_start3A_192 = tpu.memref_squeeze %dma_start3A_191 : memref<1x64xi32, #tpu.memory_space<vmem>> -> memref<64xi32, #tpu.memory_space<vmem>>
          %dma_start3A_193 = arith.constant 0 : i32
          %dma_start3A_194 = arith.constant 0 : i32
          %dma_start3A_195 = tpu.memref_slice %arg2[%dma_start3A_193, %dma_start3A_194] : memref<10000x128xf32, #tpu.memory_space<hbm>> -> memref<10000x128xf32, #tpu.memory_space<hbm>>
          tpu.enqueue_indirect_dma source(%dma_start3A_195 : memref<10000x128xf32, #tpu.memory_space<hbm>>) target(%arg12 : memref<64x128xf32, #tpu.memory_space<vmem>>) offsets(%dma_start3A_192 : memref<64xi32, #tpu.memory_space<vmem>>) semaphore(%arg17 : memref<!tpu.dma_semaphore, #tpu.memory_space<semaphore_mem>>)
          %add3A_196 = arith.addi %add3A_22, %add3A_87 : i32
          %add3A_197 = arith.constant 0 : i32
          %add3A_198 = arith.addi %add3A_196, %add3A_197 : i32
          %add3A_199 = arith.constant 4 : i32
          %add3A_200 = arith.addi %add3A_198, %add3A_199 : i32
          %mul3A_201 = arith.constant 64 : i32
          %mul3A_202 = arith.muli %add3A_200, %mul3A_201 : i32
          %add3A_203 = arith.addi %mul3A_2, %mul3A_202 : i32
          %dma_start3A_204 = tpu.memref_slice %arg4[%add3A_203] : memref<327680xi32, #tpu.memory_space<hbm>> -> memref<64xi32, #tpu.memory_space<hbm>>
          %dma_start3A_205 = tpu.memref_slice %arg4[%add3A_203] : memref<327680xi32, #tpu.memory_space<hbm>> -> memref<64xi32, #tpu.memory_space<hbm>>
          tpu.enqueue_dma source(%dma_start3A_205 : memref<64xi32, #tpu.memory_space<hbm>>) target(%arg8 : memref<64xi32, #tpu.memory_space<vmem>>) target_semaphore(%arg21 : memref<!tpu.dma_semaphore, #tpu.memory_space<semaphore_mem>>)
        } else {
        }
        %add3A_111 = arith.constant 1 : i32
        %add3A_112 = arith.addi %add3A_87, %add3A_111 : i32
        %dma_wait3A_113 = arith.constant 0 : i32
        %dma_wait3A_114 = tpu.memref_slice %arg7[%add3A_112, %dma_wait3A_113] : memref<80x64xi32, #tpu.memory_space<vmem>> -> memref<1x64xi32, #tpu.memory_space<vmem>>
        %dma_wait3A_115 = tpu.memref_squeeze %dma_wait3A_114 : memref<1x64xi32, #tpu.memory_space<vmem>> -> memref<64xi32, #tpu.memory_space<vmem>>
        %dma_wait3A_116 = arith.constant 0 : i32
        %dma_wait3A_117 = arith.constant 0 : i32
        %dma_wait3A_118 = tpu.memref_slice %arg2[%dma_wait3A_116, %dma_wait3A_117] : memref<10000x128xf32, #tpu.memory_space<hbm>> -> memref<10000x128xf32, #tpu.memory_space<hbm>>
        tpu.wait_indirect_dma semaphore(%arg18 : memref<!tpu.dma_semaphore, #tpu.memory_space<semaphore_mem>>) src(%dma_wait3A_118 : memref<10000x128xf32, #tpu.memory_space<hbm>>) dst(%arg13 : memref<64x128xf32, #tpu.memory_space<vmem>>)
        %add3A_119 = arith.addi %add3A_22, %add3A_87 : i32
        %add3A_120 = arith.constant 1 : i32
        %add3A_121 = arith.addi %add3A_119, %add3A_120 : i32
        %mul3A_122 = arith.constant 64 : i32
        %mul3A_123 = arith.muli %add3A_121, %mul3A_122 : i32
        %add3A_124 = arith.addi %mul3A_2, %mul3A_123 : i32
        %dma_wait3A_125 = tpu.memref_slice %arg4[%add3A_124] : memref<327680xi32, #tpu.memory_space<hbm>> -> memref<64xi32, #tpu.memory_space<hbm>>
        %dma_wait3A_126 = tpu.memref_slice %arg4[%add3A_124] : memref<327680xi32, #tpu.memory_space<hbm>> -> memref<64xi32, #tpu.memory_space<hbm>>
        tpu.wait_dma2 semaphore(%arg22 : memref<!tpu.dma_semaphore, #tpu.memory_space<semaphore_mem>>) src(%dma_wait3A_126 : memref<64xi32, #tpu.memory_space<hbm>>) dst(%arg9 : memref<64xi32, #tpu.memory_space<vmem>>)
        "tpu.region"() ({
          %run_scoped3A = tpu.sem_alloc : memref<!tpu.dma_semaphore, #tpu.memory_space<semaphore_mem>>
          %dma_start3A_186 = arith.constant 0 : i32
          %dma_start3A_187 = arith.constant 0 : i32
          %dma_start3A_188 = tpu.memref_slice %arg16[%dma_start3A_186, %dma_start3A_187] : memref<10112x128xf32, #tpu.memory_space<vmem_shared>> -> memref<10112x128xf32, #tpu.memory_space<vmem_shared>>
          tpu.enqueue_indirect_dma source(%arg13 : memref<64x128xf32, #tpu.memory_space<vmem>>) target(%dma_start3A_188 : memref<10112x128xf32, #tpu.memory_space<vmem_shared>>) offsets(%arg9 : memref<64xi32, #tpu.memory_space<vmem>>) semaphore(%run_scoped3A : memref<!tpu.dma_semaphore, #tpu.memory_space<semaphore_mem>>) {add = true}
          %dma_wait3A_189 = arith.constant 0 : i32
          %dma_wait3A_190 = arith.constant 0 : i32
          %dma_wait3A_191 = tpu.memref_slice %arg16[%dma_wait3A_189, %dma_wait3A_190] : memref<10112x128xf32, #tpu.memory_space<vmem_shared>> -> memref<10112x128xf32, #tpu.memory_space<vmem_shared>>
          tpu.wait_indirect_dma semaphore(%run_scoped3A : memref<!tpu.dma_semaphore, #tpu.memory_space<semaphore_mem>>) src(%arg13 : memref<64x128xf32, #tpu.memory_space<vmem>>) dst(%dma_wait3A_191 : memref<10112x128xf32, #tpu.memory_space<vmem_shared>>)
          tpu.yield
        }) : () -> ()
        %add3A_127 = arith.constant 1 : i32
        %add3A_128 = arith.addi %add3A_87, %add3A_127 : i32
        %add3A_129 = arith.constant 4 : i32
        %add3A_130 = arith.addi %add3A_128, %add3A_129 : i32
        %lt3A_131 = arith.constant 80 : i32
        %lt3A_132 = arith.cmpi slt, %add3A_130, %lt3A_131 : i32
        %convert_element_type3A_133 = arith.extui %lt3A_132 : i1 to i32
        %cond3A_134 = arith.constant 0 : i32
        %cond3A_135 = arith.cmpi ne, %convert_element_type3A_133, %cond3A_134 : i32
        scf.if %cond3A_135 {
          %add3A_186 = arith.constant 1 : i32
          %add3A_187 = arith.addi %add3A_87, %add3A_186 : i32
          %add3A_188 = arith.constant 4 : i32
          %add3A_189 = arith.addi %add3A_187, %add3A_188 : i32
          %dma_start3A_190 = arith.constant 0 : i32
          %dma_start3A_191 = tpu.memref_slice %arg7[%add3A_189, %dma_start3A_190] : memref<80x64xi32, #tpu.memory_space<vmem>> -> memref<1x64xi32, #tpu.memory_space<vmem>>
          %dma_start3A_192 = tpu.memref_squeeze %dma_start3A_191 : memref<1x64xi32, #tpu.memory_space<vmem>> -> memref<64xi32, #tpu.memory_space<vmem>>
          %dma_start3A_193 = arith.constant 0 : i32
          %dma_start3A_194 = arith.constant 0 : i32
          %dma_start3A_195 = tpu.memref_slice %arg2[%dma_start3A_193, %dma_start3A_194] : memref<10000x128xf32, #tpu.memory_space<hbm>> -> memref<10000x128xf32, #tpu.memory_space<hbm>>
          tpu.enqueue_indirect_dma source(%dma_start3A_195 : memref<10000x128xf32, #tpu.memory_space<hbm>>) target(%arg13 : memref<64x128xf32, #tpu.memory_space<vmem>>) offsets(%dma_start3A_192 : memref<64xi32, #tpu.memory_space<vmem>>) semaphore(%arg18 : memref<!tpu.dma_semaphore, #tpu.memory_space<semaphore_mem>>)
          %add3A_196 = arith.addi %add3A_22, %add3A_87 : i32
          %add3A_197 = arith.constant 1 : i32
          %add3A_198 = arith.addi %add3A_196, %add3A_197 : i32
          %add3A_199 = arith.constant 4 : i32
          %add3A_200 = arith.addi %add3A_198, %add3A_199 : i32
          %mul3A_201 = arith.constant 64 : i32
          %mul3A_202 = arith.muli %add3A_200, %mul3A_201 : i32
          %add3A_203 = arith.addi %mul3A_2, %mul3A_202 : i32
          %dma_start3A_204 = tpu.memref_slice %arg4[%add3A_203] : memref<327680xi32, #tpu.memory_space<hbm>> -> memref<64xi32, #tpu.memory_space<hbm>>
          %dma_start3A_205 = tpu.memref_slice %arg4[%add3A_203] : memref<327680xi32, #tpu.memory_space<hbm>> -> memref<64xi32, #tpu.memory_space<hbm>>
          tpu.enqueue_dma source(%dma_start3A_205 : memref<64xi32, #tpu.memory_space<hbm>>) target(%arg9 : memref<64xi32, #tpu.memory_space<vmem>>) target_semaphore(%arg22 : memref<!tpu.dma_semaphore, #tpu.memory_space<semaphore_mem>>)
        } else {
        }
        %add3A_136 = arith.constant 2 : i32
        %add3A_137 = arith.addi %add3A_87, %add3A_136 : i32
        %dma_wait3A_138 = arith.constant 0 : i32
        %dma_wait3A_139 = tpu.memref_slice %arg7[%add3A_137, %dma_wait3A_138] : memref<80x64xi32, #tpu.memory_space<vmem>> -> memref<1x64xi32, #tpu.memory_space<vmem>>
        %dma_wait3A_140 = tpu.memref_squeeze %dma_wait3A_139 : memref<1x64xi32, #tpu.memory_space<vmem>> -> memref<64xi32, #tpu.memory_space<vmem>>
        %dma_wait3A_141 = arith.constant 0 : i32
        %dma_wait3A_142 = arith.constant 0 : i32
        %dma_wait3A_143 = tpu.memref_slice %arg2[%dma_wait3A_141, %dma_wait3A_142] : memref<10000x128xf32, #tpu.memory_space<hbm>> -> memref<10000x128xf32, #tpu.memory_space<hbm>>
        tpu.wait_indirect_dma semaphore(%arg19 : memref<!tpu.dma_semaphore, #tpu.memory_space<semaphore_mem>>) src(%dma_wait3A_143 : memref<10000x128xf32, #tpu.memory_space<hbm>>) dst(%arg14 : memref<64x128xf32, #tpu.memory_space<vmem>>)
        %add3A_144 = arith.addi %add3A_22, %add3A_87 : i32
        %add3A_145 = arith.constant 2 : i32
        %add3A_146 = arith.addi %add3A_144, %add3A_145 : i32
        %mul3A_147 = arith.constant 64 : i32
        %mul3A_148 = arith.muli %add3A_146, %mul3A_147 : i32
        %add3A_149 = arith.addi %mul3A_2, %mul3A_148 : i32
        %dma_wait3A_150 = tpu.memref_slice %arg4[%add3A_149] : memref<327680xi32, #tpu.memory_space<hbm>> -> memref<64xi32, #tpu.memory_space<hbm>>
        %dma_wait3A_151 = tpu.memref_slice %arg4[%add3A_149] : memref<327680xi32, #tpu.memory_space<hbm>> -> memref<64xi32, #tpu.memory_space<hbm>>
        tpu.wait_dma2 semaphore(%arg23 : memref<!tpu.dma_semaphore, #tpu.memory_space<semaphore_mem>>) src(%dma_wait3A_151 : memref<64xi32, #tpu.memory_space<hbm>>) dst(%arg10 : memref<64xi32, #tpu.memory_space<vmem>>)
        "tpu.region"() ({
          %run_scoped3A = tpu.sem_alloc : memref<!tpu.dma_semaphore, #tpu.memory_space<semaphore_mem>>
          %dma_start3A_186 = arith.constant 0 : i32
          %dma_start3A_187 = arith.constant 0 : i32
          %dma_start3A_188 = tpu.memref_slice %arg16[%dma_start3A_186, %dma_start3A_187] : memref<10112x128xf32, #tpu.memory_space<vmem_shared>> -> memref<10112x128xf32, #tpu.memory_space<vmem_shared>>
          tpu.enqueue_indirect_dma source(%arg14 : memref<64x128xf32, #tpu.memory_space<vmem>>) target(%dma_start3A_188 : memref<10112x128xf32, #tpu.memory_space<vmem_shared>>) offsets(%arg10 : memref<64xi32, #tpu.memory_space<vmem>>) semaphore(%run_scoped3A : memref<!tpu.dma_semaphore, #tpu.memory_space<semaphore_mem>>) {add = true}
          %dma_wait3A_189 = arith.constant 0 : i32
          %dma_wait3A_190 = arith.constant 0 : i32
          %dma_wait3A_191 = tpu.memref_slice %arg16[%dma_wait3A_189, %dma_wait3A_190] : memref<10112x128xf32, #tpu.memory_space<vmem_shared>> -> memref<10112x128xf32, #tpu.memory_space<vmem_shared>>
          tpu.wait_indirect_dma semaphore(%run_scoped3A : memref<!tpu.dma_semaphore, #tpu.memory_space<semaphore_mem>>) src(%arg14 : memref<64x128xf32, #tpu.memory_space<vmem>>) dst(%dma_wait3A_191 : memref<10112x128xf32, #tpu.memory_space<vmem_shared>>)
          tpu.yield
        }) : () -> ()
        %add3A_152 = arith.constant 2 : i32
        %add3A_153 = arith.addi %add3A_87, %add3A_152 : i32
        %add3A_154 = arith.constant 4 : i32
        %add3A_155 = arith.addi %add3A_153, %add3A_154 : i32
        %lt3A_156 = arith.constant 80 : i32
        %lt3A_157 = arith.cmpi slt, %add3A_155, %lt3A_156 : i32
        %convert_element_type3A_158 = arith.extui %lt3A_157 : i1 to i32
        %cond3A_159 = arith.constant 0 : i32
        %cond3A_160 = arith.cmpi ne, %convert_element_type3A_158, %cond3A_159 : i32
        scf.if %cond3A_160 {
          %add3A_186 = arith.constant 2 : i32
          %add3A_187 = arith.addi %add3A_87, %add3A_186 : i32
          %add3A_188 = arith.constant 4 : i32
          %add3A_189 = arith.addi %add3A_187, %add3A_188 : i32
          %dma_start3A_190 = arith.constant 0 : i32
          %dma_start3A_191 = tpu.memref_slice %arg7[%add3A_189, %dma_start3A_190] : memref<80x64xi32, #tpu.memory_space<vmem>> -> memref<1x64xi32, #tpu.memory_space<vmem>>
          %dma_start3A_192 = tpu.memref_squeeze %dma_start3A_191 : memref<1x64xi32, #tpu.memory_space<vmem>> -> memref<64xi32, #tpu.memory_space<vmem>>
          %dma_start3A_193 = arith.constant 0 : i32
          %dma_start3A_194 = arith.constant 0 : i32
          %dma_start3A_195 = tpu.memref_slice %arg2[%dma_start3A_193, %dma_start3A_194] : memref<10000x128xf32, #tpu.memory_space<hbm>> -> memref<10000x128xf32, #tpu.memory_space<hbm>>
          tpu.enqueue_indirect_dma source(%dma_start3A_195 : memref<10000x128xf32, #tpu.memory_space<hbm>>) target(%arg14 : memref<64x128xf32, #tpu.memory_space<vmem>>) offsets(%dma_start3A_192 : memref<64xi32, #tpu.memory_space<vmem>>) semaphore(%arg19 : memref<!tpu.dma_semaphore, #tpu.memory_space<semaphore_mem>>)
          %add3A_196 = arith.addi %add3A_22, %add3A_87 : i32
          %add3A_197 = arith.constant 2 : i32
          %add3A_198 = arith.addi %add3A_196, %add3A_197 : i32
          %add3A_199 = arith.constant 4 : i32
          %add3A_200 = arith.addi %add3A_198, %add3A_199 : i32
          %mul3A_201 = arith.constant 64 : i32
          %mul3A_202 = arith.muli %add3A_200, %mul3A_201 : i32
          %add3A_203 = arith.addi %mul3A_2, %mul3A_202 : i32
          %dma_start3A_204 = tpu.memref_slice %arg4[%add3A_203] : memref<327680xi32, #tpu.memory_space<hbm>> -> memref<64xi32, #tpu.memory_space<hbm>>
          %dma_start3A_205 = tpu.memref_slice %arg4[%add3A_203] : memref<327680xi32, #tpu.memory_space<hbm>> -> memref<64xi32, #tpu.memory_space<hbm>>
          tpu.enqueue_dma source(%dma_start3A_205 : memref<64xi32, #tpu.memory_space<hbm>>) target(%arg10 : memref<64xi32, #tpu.memory_space<vmem>>) target_semaphore(%arg23 : memref<!tpu.dma_semaphore, #tpu.memory_space<semaphore_mem>>)
        } else {
        }
        %add3A_161 = arith.constant 3 : i32
        %add3A_162 = arith.addi %add3A_87, %add3A_161 : i32
        %dma_wait3A_163 = arith.constant 0 : i32
        %dma_wait3A_164 = tpu.memref_slice %arg7[%add3A_162, %dma_wait3A_163] : memref<80x64xi32, #tpu.memory_space<vmem>> -> memref<1x64xi32, #tpu.memory_space<vmem>>
        %dma_wait3A_165 = tpu.memref_squeeze %dma_wait3A_164 : memref<1x64xi32, #tpu.memory_space<vmem>> -> memref<64xi32, #tpu.memory_space<vmem>>
        %dma_wait3A_166 = arith.constant 0 : i32
        %dma_wait3A_167 = arith.constant 0 : i32
        %dma_wait3A_168 = tpu.memref_slice %arg2[%dma_wait3A_166, %dma_wait3A_167] : memref<10000x128xf32, #tpu.memory_space<hbm>> -> memref<10000x128xf32, #tpu.memory_space<hbm>>
        tpu.wait_indirect_dma semaphore(%arg20 : memref<!tpu.dma_semaphore, #tpu.memory_space<semaphore_mem>>) src(%dma_wait3A_168 : memref<10000x128xf32, #tpu.memory_space<hbm>>) dst(%arg15 : memref<64x128xf32, #tpu.memory_space<vmem>>)
        %add3A_169 = arith.addi %add3A_22, %add3A_87 : i32
        %add3A_170 = arith.constant 3 : i32
        %add3A_171 = arith.addi %add3A_169, %add3A_170 : i32
        %mul3A_172 = arith.constant 64 : i32
        %mul3A_173 = arith.muli %add3A_171, %mul3A_172 : i32
        %add3A_174 = arith.addi %mul3A_2, %mul3A_173 : i32
        %dma_wait3A_175 = tpu.memref_slice %arg4[%add3A_174] : memref<327680xi32, #tpu.memory_space<hbm>> -> memref<64xi32, #tpu.memory_space<hbm>>
        %dma_wait3A_176 = tpu.memref_slice %arg4[%add3A_174] : memref<327680xi32, #tpu.memory_space<hbm>> -> memref<64xi32, #tpu.memory_space<hbm>>
        tpu.wait_dma2 semaphore(%arg24 : memref<!tpu.dma_semaphore, #tpu.memory_space<semaphore_mem>>) src(%dma_wait3A_176 : memref<64xi32, #tpu.memory_space<hbm>>) dst(%arg11 : memref<64xi32, #tpu.memory_space<vmem>>)
        "tpu.region"() ({
          %run_scoped3A = tpu.sem_alloc : memref<!tpu.dma_semaphore, #tpu.memory_space<semaphore_mem>>
          %dma_start3A_186 = arith.constant 0 : i32
          %dma_start3A_187 = arith.constant 0 : i32
          %dma_start3A_188 = tpu.memref_slice %arg16[%dma_start3A_186, %dma_start3A_187] : memref<10112x128xf32, #tpu.memory_space<vmem_shared>> -> memref<10112x128xf32, #tpu.memory_space<vmem_shared>>
          tpu.enqueue_indirect_dma source(%arg15 : memref<64x128xf32, #tpu.memory_space<vmem>>) target(%dma_start3A_188 : memref<10112x128xf32, #tpu.memory_space<vmem_shared>>) offsets(%arg11 : memref<64xi32, #tpu.memory_space<vmem>>) semaphore(%run_scoped3A : memref<!tpu.dma_semaphore, #tpu.memory_space<semaphore_mem>>) {add = true}
          %dma_wait3A_189 = arith.constant 0 : i32
          %dma_wait3A_190 = arith.constant 0 : i32
          %dma_wait3A_191 = tpu.memref_slice %arg16[%dma_wait3A_189, %dma_wait3A_190] : memref<10112x128xf32, #tpu.memory_space<vmem_shared>> -> memref<10112x128xf32, #tpu.memory_space<vmem_shared>>
          tpu.wait_indirect_dma semaphore(%run_scoped3A : memref<!tpu.dma_semaphore, #tpu.memory_space<semaphore_mem>>) src(%arg15 : memref<64x128xf32, #tpu.memory_space<vmem>>) dst(%dma_wait3A_191 : memref<10112x128xf32, #tpu.memory_space<vmem_shared>>)
          tpu.yield
        }) : () -> ()
        %add3A_177 = arith.constant 3 : i32
        %add3A_178 = arith.addi %add3A_87, %add3A_177 : i32
        %add3A_179 = arith.constant 4 : i32
        %add3A_180 = arith.addi %add3A_178, %add3A_179 : i32
        %lt3A_181 = arith.constant 80 : i32
        %lt3A_182 = arith.cmpi slt, %add3A_180, %lt3A_181 : i32
        %convert_element_type3A_183 = arith.extui %lt3A_182 : i1 to i32
        %cond3A_184 = arith.constant 0 : i32
        %cond3A_185 = arith.cmpi ne, %convert_element_type3A_183, %cond3A_184 : i32
        scf.if %cond3A_185 {
          %add3A_186 = arith.constant 3 : i32
          %add3A_187 = arith.addi %add3A_87, %add3A_186 : i32
          %add3A_188 = arith.constant 4 : i32
          %add3A_189 = arith.addi %add3A_187, %add3A_188 : i32
          %dma_start3A_190 = arith.constant 0 : i32
          %dma_start3A_191 = tpu.memref_slice %arg7[%add3A_189, %dma_start3A_190] : memref<80x64xi32, #tpu.memory_space<vmem>> -> memref<1x64xi32, #tpu.memory_space<vmem>>
          %dma_start3A_192 = tpu.memref_squeeze %dma_start3A_191 : memref<1x64xi32, #tpu.memory_space<vmem>> -> memref<64xi32, #tpu.memory_space<vmem>>
          %dma_start3A_193 = arith.constant 0 : i32
          %dma_start3A_194 = arith.constant 0 : i32
          %dma_start3A_195 = tpu.memref_slice %arg2[%dma_start3A_193, %dma_start3A_194] : memref<10000x128xf32, #tpu.memory_space<hbm>> -> memref<10000x128xf32, #tpu.memory_space<hbm>>
          tpu.enqueue_indirect_dma source(%dma_start3A_195 : memref<10000x128xf32, #tpu.memory_space<hbm>>) target(%arg15 : memref<64x128xf32, #tpu.memory_space<vmem>>) offsets(%dma_start3A_192 : memref<64xi32, #tpu.memory_space<vmem>>) semaphore(%arg20 : memref<!tpu.dma_semaphore, #tpu.memory_space<semaphore_mem>>)
          %add3A_196 = arith.addi %add3A_22, %add3A_87 : i32
          %add3A_197 = arith.constant 3 : i32
          %add3A_198 = arith.addi %add3A_196, %add3A_197 : i32
          %add3A_199 = arith.constant 4 : i32
          %add3A_200 = arith.addi %add3A_198, %add3A_199 : i32
          %mul3A_201 = arith.constant 64 : i32
          %mul3A_202 = arith.muli %add3A_200, %mul3A_201 : i32
          %add3A_203 = arith.addi %mul3A_2, %mul3A_202 : i32
          %dma_start3A_204 = tpu.memref_slice %arg4[%add3A_203] : memref<327680xi32, #tpu.memory_space<hbm>> -> memref<64xi32, #tpu.memory_space<hbm>>
          %dma_start3A_205 = tpu.memref_slice %arg4[%add3A_203] : memref<327680xi32, #tpu.memory_space<hbm>> -> memref<64xi32, #tpu.memory_space<hbm>>
          tpu.enqueue_dma source(%dma_start3A_205 : memref<64xi32, #tpu.memory_space<hbm>>) target(%arg11 : memref<64xi32, #tpu.memory_space<vmem>>) target_semaphore(%arg24 : memref<!tpu.dma_semaphore, #tpu.memory_space<semaphore_mem>>)
        } else {
        }
      }
      %scan3A_82 = arith.constant 20 : i32
    }
    %scan3A_10 = arith.constant 2 : i32
    %barrier3A_11 = arith.constant 0 : index
    tpu.barrier barrier_id(%barrier3A_11)
    %mul3A_12 = arith.constant 624 : i32
    %mul3A_13 = arith.muli %arg1, %mul3A_12 : i32
    %mul3A_14 = arith.constant 624 : i32
    %mul3A_15 = arith.muli %arg1, %mul3A_14 : i32
    "tpu.region"() ({
      %run_scoped3A = tpu.sem_alloc : memref<!tpu.dma_semaphore, #tpu.memory_space<semaphore_mem>>
      %dma_start3A = arith.constant 0 : i32
      %dma_start3A_18 = tpu.memref_slice %arg6[%arg0, %mul3A_15, %dma_start3A] : memref<2x10000x128xf32, #tpu.memory_space<hbm>> -> memref<1x624x128xf32, #tpu.memory_space<hbm>>
      %dma_start3A_19 = tpu.memref_squeeze %dma_start3A_18 : memref<1x624x128xf32, #tpu.memory_space<hbm>> -> memref<624x128xf32, #tpu.memory_space<hbm>>
      %dma_start3A_20 = arith.constant 0 : i32
      %dma_start3A_21 = tpu.memref_slice %arg16[%mul3A_13, %dma_start3A_20] : memref<10112x128xf32, #tpu.memory_space<vmem_shared>> -> memref<624x128xf32, #tpu.memory_space<vmem_shared>>
      tpu.enqueue_dma source(%dma_start3A_21 : memref<624x128xf32, #tpu.memory_space<vmem_shared>>) target(%dma_start3A_19 : memref<624x128xf32, #tpu.memory_space<hbm>>) target_semaphore(%run_scoped3A : memref<!tpu.dma_semaphore, #tpu.memory_space<semaphore_mem>>)
      %dma_wait3A = arith.constant 0 : i32
      %dma_wait3A_22 = tpu.memref_slice %arg6[%arg0, %mul3A_15, %dma_wait3A] : memref<2x10000x128xf32, #tpu.memory_space<hbm>> -> memref<1x624x128xf32, #tpu.memory_space<hbm>>
      %dma_wait3A_23 = tpu.memref_squeeze %dma_wait3A_22 : memref<1x624x128xf32, #tpu.memory_space<hbm>> -> memref<624x128xf32, #tpu.memory_space<hbm>>
      %dma_wait3A_24 = arith.constant 0 : i32
      %dma_wait3A_25 = tpu.memref_slice %arg16[%mul3A_13, %dma_wait3A_24] : memref<10112x128xf32, #tpu.memory_space<vmem_shared>> -> memref<624x128xf32, #tpu.memory_space<vmem_shared>>
      tpu.wait_dma2 semaphore(%run_scoped3A : memref<!tpu.dma_semaphore, #tpu.memory_space<semaphore_mem>>) src(%dma_wait3A_25 : memref<624x128xf32, #tpu.memory_space<vmem_shared>>) dst(%dma_wait3A_23 : memref<624x128xf32, #tpu.memory_space<hbm>>)
      tpu.yield
    }) : () -> ()
    %eq3A = arith.constant 0 : i32
    %eq3A_16 = arith.cmpi eq, %arg1, %eq3A : i32
    %convert_element_type3A = arith.extui %eq3A_16 : i1 to i32
    %cond3A = arith.constant 0 : i32
    %cond3A_17 = arith.cmpi ne, %convert_element_type3A, %cond3A : i32
    scf.if %cond3A_17 {
      "tpu.region"() ({
        %run_scoped3A = tpu.sem_alloc : memref<!tpu.dma_semaphore, #tpu.memory_space<semaphore_mem>>
        %dma_start3A = arith.constant 9984 : i32
        %dma_start3A_18 = arith.constant 0 : i32
        %dma_start3A_19 = tpu.memref_slice %arg6[%arg0, %dma_start3A, %dma_start3A_18] : memref<2x10000x128xf32, #tpu.memory_space<hbm>> -> memref<1x16x128xf32, #tpu.memory_space<hbm>>
        %dma_start3A_20 = tpu.memref_squeeze %dma_start3A_19 : memref<1x16x128xf32, #tpu.memory_space<hbm>> -> memref<16x128xf32, #tpu.memory_space<hbm>>
        %dma_start3A_21 = arith.constant 9984 : i32
        %dma_start3A_22 = arith.constant 0 : i32
        %dma_start3A_23 = tpu.memref_slice %arg16[%dma_start3A_21, %dma_start3A_22] : memref<10112x128xf32, #tpu.memory_space<vmem_shared>> -> memref<16x128xf32, #tpu.memory_space<vmem_shared>>
        tpu.enqueue_dma source(%dma_start3A_23 : memref<16x128xf32, #tpu.memory_space<vmem_shared>>) target(%dma_start3A_20 : memref<16x128xf32, #tpu.memory_space<hbm>>) target_semaphore(%run_scoped3A : memref<!tpu.dma_semaphore, #tpu.memory_space<semaphore_mem>>)
        %dma_wait3A = arith.constant 9984 : i32
        %dma_wait3A_24 = arith.constant 0 : i32
        %dma_wait3A_25 = tpu.memref_slice %arg6[%arg0, %dma_wait3A, %dma_wait3A_24] : memref<2x10000x128xf32, #tpu.memory_space<hbm>> -> memref<1x16x128xf32, #tpu.memory_space<hbm>>
        %dma_wait3A_26 = tpu.memref_squeeze %dma_wait3A_25 : memref<1x16x128xf32, #tpu.memory_space<hbm>> -> memref<16x128xf32, #tpu.memory_space<hbm>>
        %dma_wait3A_27 = arith.constant 9984 : i32
        %dma_wait3A_28 = arith.constant 0 : i32
        %dma_wait3A_29 = tpu.memref_slice %arg16[%dma_wait3A_27, %dma_wait3A_28] : memref<10112x128xf32, #tpu.memory_space<vmem_shared>> -> memref<16x128xf32, #tpu.memory_space<vmem_shared>>
        tpu.wait_dma2 semaphore(%run_scoped3A : memref<!tpu.dma_semaphore, #tpu.memory_space<semaphore_mem>>) src(%dma_wait3A_29 : memref<16x128xf32, #tpu.memory_space<vmem_shared>>) dst(%dma_wait3A_26 : memref<16x128xf32, #tpu.memory_space<hbm>>)
        tpu.yield
      }) : () -> ()
    } else {
    }
    return
  }
}

#map = affine_map<(d0, d1) -> (0, 0)>
#map1 = affine_map<(d0, d1) -> (0, 0, 0)>
#map2 = affine_map<(d0, d1) -> (0)>
module attributes {stable_mosaic.version = 14 : i64} {
  func.func @_sc_agg(%arg0: i32, %arg1: i32, %arg2: memref<10000x128xf32, #tpu.memory_space<hbm>>, %arg3: memref<32x160x64xi32, #tpu.memory_space<hbm>>, %arg4: memref<327680xi32, #tpu.memory_space<hbm>>, %arg5: memref<10112x128xf32, #tpu.memory_space<hbm>>, %arg6: memref<2x10000x128xf32, #tpu.memory_space<hbm>>, %arg7: memref<80x64xi32, #tpu.memory_space<vmem>>, %arg8: memref<64xi32, #tpu.memory_space<vmem>>, %arg9: memref<64xi32, #tpu.memory_space<vmem>>, %arg10: memref<64xi32, #tpu.memory_space<vmem>>, %arg11: memref<64xi32, #tpu.memory_space<vmem>>, %arg12: memref<64x128xf32, #tpu.memory_space<vmem>>, %arg13: memref<64x128xf32, #tpu.memory_space<vmem>>, %arg14: memref<64x128xf32, #tpu.memory_space<vmem>>, %arg15: memref<64x128xf32, #tpu.memory_space<vmem>>, %arg16: memref<10112x128xf32, #tpu.memory_space<vmem_shared>>, %arg17: memref<!tpu.dma_semaphore, #tpu.memory_space<semaphore_mem>>, %arg18: memref<!tpu.dma_semaphore, #tpu.memory_space<semaphore_mem>>, %arg19: memref<!tpu.dma_semaphore, #tpu.memory_space<semaphore_mem>>, %arg20: memref<!tpu.dma_semaphore, #tpu.memory_space<semaphore_mem>>, %arg21: memref<!tpu.dma_semaphore, #tpu.memory_space<semaphore_mem>>, %arg22: memref<!tpu.dma_semaphore, #tpu.memory_space<semaphore_mem>>, %arg23: memref<!tpu.dma_semaphore, #tpu.memory_space<semaphore_mem>>, %arg24: memref<!tpu.dma_semaphore, #tpu.memory_space<semaphore_mem>>) attributes {dimension_semantics = [#tpu.dimension_semantics<core_parallel>, #tpu.dimension_semantics<subcore_parallel>], iteration_bounds = array<i64: 2, 16>, scalar_prefetch = 0 : i64, scratch_operands = 18 : i64, tpu.core_type = #tpu.core_type<sc_vector_subcore>, window_params = [{transform_indices = #map}, {transform_indices = #map1}, {transform_indices = #map2}, {transform_indices = #map}, {transform_indices = #map1}]} {
    %mul3A = arith.constant 2 : i32
    %mul3A_0 = arith.muli %arg1, %mul3A : i32
    %add3A = arith.addi %mul3A_0, %arg0 : i32
    %mul3A_1 = arith.constant 10240 : i32
    %mul3A_2 = arith.muli %add3A, %mul3A_1 : i32
    %mul3A_3 = arith.constant 632 : i32
    %mul3A_4 = arith.muli %arg1, %mul3A_3 : i32
    %mul3A_5 = arith.constant 632 : i32
    %mul3A_6 = arith.muli %arg1, %mul3A_5 : i32
    "tpu.region"() ({
      %run_scoped3A = tpu.sem_alloc : memref<!tpu.dma_semaphore, #tpu.memory_space<semaphore_mem>>
      %dma_start3A = arith.constant 0 : i32
      %dma_start3A_18 = tpu.memref_slice %arg16[%mul3A_6, %dma_start3A] : memref<10112x128xf32, #tpu.memory_space<vmem_shared>> -> memref<632x128xf32, #tpu.memory_space<vmem_shared>>
      %dma_start3A_19 = arith.constant 0 : i32
      %dma_start3A_20 = tpu.memref_slice %arg5[%mul3A_4, %dma_start3A_19] : memref<10112x128xf32, #tpu.memory_space<hbm>> -> memref<632x128xf32, #tpu.memory_space<hbm>>
      tpu.enqueue_dma source(%dma_start3A_20 : memref<632x128xf32, #tpu.memory_space<hbm>>) target(%dma_start3A_18 : memref<632x128xf32, #tpu.memory_space<vmem_shared>>) target_semaphore(%run_scoped3A : memref<!tpu.dma_semaphore, #tpu.memory_space<semaphore_mem>>)
      %dma_wait3A = arith.constant 0 : i32
      %dma_wait3A_21 = tpu.memref_slice %arg16[%mul3A_6, %dma_wait3A] : memref<10112x128xf32, #tpu.memory_space<vmem_shared>> -> memref<632x128xf32, #tpu.memory_space<vmem_shared>>
      %dma_wait3A_22 = arith.constant 0 : i32
      %dma_wait3A_23 = tpu.memref_slice %arg5[%mul3A_4, %dma_wait3A_22] : memref<10112x128xf32, #tpu.memory_space<hbm>> -> memref<632x128xf32, #tpu.memory_space<hbm>>
      tpu.wait_dma2 semaphore(%run_scoped3A : memref<!tpu.dma_semaphore, #tpu.memory_space<semaphore_mem>>) src(%dma_wait3A_23 : memref<632x128xf32, #tpu.memory_space<hbm>>) dst(%dma_wait3A_21 : memref<632x128xf32, #tpu.memory_space<vmem_shared>>)
      tpu.yield
    }) : () -> ()
    %barrier3A = arith.constant 0 : index
    tpu.barrier barrier_id(%barrier3A)
    %scan3A = arith.constant 0 : i32
    %scan3A_7 = arith.constant 2 : i32
    %scan3A_8 = arith.addi %scan3A, %scan3A_7 : i32
    %scan3A_9 = arith.constant 1 : i32
    scf.for %scan3A_18 = %scan3A to %scan3A_8 step %scan3A_9  : i32 {
      %mul3A_19 = arith.constant 80 : i32
      %mul3A_20 = arith.muli %scan3A_18, %mul3A_19 : i32
      %add3A_21 = arith.constant 0 : i32
      %add3A_22 = arith.addi %add3A_21, %mul3A_20 : i32
      "tpu.region"() ({
        %run_scoped3A = tpu.sem_alloc : memref<!tpu.dma_semaphore, #tpu.memory_space<semaphore_mem>>
        %dma_start3A_83 = arith.constant 0 : i32
        %dma_start3A_84 = tpu.memref_slice %arg3[%add3A, %add3A_22, %dma_start3A_83] : memref<32x160x64xi32, #tpu.memory_space<hbm>> -> memref<1x80x64xi32, #tpu.memory_space<hbm>>
        %dma_start3A_85 = tpu.memref_squeeze %dma_start3A_84 : memref<1x80x64xi32, #tpu.memory_space<hbm>> -> memref<80x64xi32, #tpu.memory_space<hbm>>
        %dma_start3A_86 = arith.constant 0 : i32
        %dma_start3A_87 = tpu.memref_slice %arg3[%add3A, %add3A_22, %dma_start3A_86] : memref<32x160x64xi32, #tpu.memory_space<hbm>> -> memref<1x80x64xi32, #tpu.memory_space<hbm>>
        %dma_start3A_88 = tpu.memref_squeeze %dma_start3A_87 : memref<1x80x64xi32, #tpu.memory_space<hbm>> -> memref<80x64xi32, #tpu.memory_space<hbm>>
        tpu.enqueue_dma source(%dma_start3A_88 : memref<80x64xi32, #tpu.memory_space<hbm>>) target(%arg7 : memref<80x64xi32, #tpu.memory_space<vmem>>) target_semaphore(%run_scoped3A : memref<!tpu.dma_semaphore, #tpu.memory_space<semaphore_mem>>)
        %dma_wait3A = arith.constant 0 : i32
        %dma_wait3A_89 = tpu.memref_slice %arg3[%add3A, %add3A_22, %dma_wait3A] : memref<32x160x64xi32, #tpu.memory_space<hbm>> -> memref<1x80x64xi32, #tpu.memory_space<hbm>>
        %dma_wait3A_90 = tpu.memref_squeeze %dma_wait3A_89 : memref<1x80x64xi32, #tpu.memory_space<hbm>> -> memref<80x64xi32, #tpu.memory_space<hbm>>
        %dma_wait3A_91 = arith.constant 0 : i32
        %dma_wait3A_92 = tpu.memref_slice %arg3[%add3A, %add3A_22, %dma_wait3A_91] : memref<32x160x64xi32, #tpu.memory_space<hbm>> -> memref<1x80x64xi32, #tpu.memory_space<hbm>>
        %dma_wait3A_93 = tpu.memref_squeeze %dma_wait3A_92 : memref<1x80x64xi32, #tpu.memory_space<hbm>> -> memref<80x64xi32, #tpu.memory_space<hbm>>
        tpu.wait_dma2 semaphore(%run_scoped3A : memref<!tpu.dma_semaphore, #tpu.memory_space<semaphore_mem>>) src(%dma_wait3A_93 : memref<80x64xi32, #tpu.memory_space<hbm>>) dst(%arg7 : memref<80x64xi32, #tpu.memory_space<vmem>>)
        tpu.yield
      }) : () -> ()
      %dma_start3A = arith.constant 0 : i32
      %dma_start3A_23 = arith.constant 0 : i32
      %dma_start3A_24 = tpu.memref_slice %arg7[%dma_start3A, %dma_start3A_23] : memref<80x64xi32, #tpu.memory_space<vmem>> -> memref<1x64xi32, #tpu.memory_space<vmem>>
      %dma_start3A_25 = tpu.memref_squeeze %dma_start3A_24 : memref<1x64xi32, #tpu.memory_space<vmem>> -> memref<64xi32, #tpu.memory_space<vmem>>
      %dma_start3A_26 = arith.constant 0 : i32
      %dma_start3A_27 = arith.constant 0 : i32
      %dma_start3A_28 = tpu.memref_slice %arg2[%dma_start3A_26, %dma_start3A_27] : memref<10000x128xf32, #tpu.memory_space<hbm>> -> memref<10000x128xf32, #tpu.memory_space<hbm>>
      tpu.enqueue_indirect_dma source(%dma_start3A_28 : memref<10000x128xf32, #tpu.memory_space<hbm>>) target(%arg12 : memref<64x128xf32, #tpu.memory_space<vmem>>) offsets(%dma_start3A_25 : memref<64xi32, #tpu.memory_space<vmem>>) semaphore(%arg17 : memref<!tpu.dma_semaphore, #tpu.memory_space<semaphore_mem>>)
      %add3A_29 = arith.constant 0 : i32
      %add3A_30 = arith.addi %add3A_22, %add3A_29 : i32
      %mul3A_31 = arith.constant 64 : i32
      %mul3A_32 = arith.muli %add3A_30, %mul3A_31 : i32
      %add3A_33 = arith.addi %mul3A_2, %mul3A_32 : i32
      %dma_start3A_34 = tpu.memref_slice %arg4[%add3A_33] : memref<327680xi32, #tpu.memory_space<hbm>> -> memref<64xi32, #tpu.memory_space<hbm>>
      %dma_start3A_35 = tpu.memref_slice %arg4[%add3A_33] : memref<327680xi32, #tpu.memory_space<hbm>> -> memref<64xi32, #tpu.memory_space<hbm>>
      tpu.enqueue_dma source(%dma_start3A_35 : memref<64xi32, #tpu.memory_space<hbm>>) target(%arg8 : memref<64xi32, #tpu.memory_space<vmem>>) target_semaphore(%arg21 : memref<!tpu.dma_semaphore, #tpu.memory_space<semaphore_mem>>)
      %dma_start3A_36 = arith.constant 1 : i32
      %dma_start3A_37 = arith.constant 0 : i32
      %dma_start3A_38 = tpu.memref_slice %arg7[%dma_start3A_36, %dma_start3A_37] : memref<80x64xi32, #tpu.memory_space<vmem>> -> memref<1x64xi32, #tpu.memory_space<vmem>>
      %dma_start3A_39 = tpu.memref_squeeze %dma_start3A_38 : memref<1x64xi32, #tpu.memory_space<vmem>> -> memref<64xi32, #tpu.memory_space<vmem>>
      %dma_start3A_40 = arith.constant 0 : i32
      %dma_start3A_41 = arith.constant 0 : i32
      %dma_start3A_42 = tpu.memref_slice %arg2[%dma_start3A_40, %dma_start3A_41] : memref<10000x128xf32, #tpu.memory_space<hbm>> -> memref<10000x128xf32, #tpu.memory_space<hbm>>
      tpu.enqueue_indirect_dma source(%dma_start3A_42 : memref<10000x128xf32, #tpu.memory_space<hbm>>) target(%arg13 : memref<64x128xf32, #tpu.memory_space<vmem>>) offsets(%dma_start3A_39 : memref<64xi32, #tpu.memory_space<vmem>>) semaphore(%arg18 : memref<!tpu.dma_semaphore, #tpu.memory_space<semaphore_mem>>)
      %add3A_43 = arith.constant 1 : i32
      %add3A_44 = arith.addi %add3A_22, %add3A_43 : i32
      %mul3A_45 = arith.constant 64 : i32
      %mul3A_46 = arith.muli %add3A_44, %mul3A_45 : i32
      %add3A_47 = arith.addi %mul3A_2, %mul3A_46 : i32
      %dma_start3A_48 = tpu.memref_slice %arg4[%add3A_47] : memref<327680xi32, #tpu.memory_space<hbm>> -> memref<64xi32, #tpu.memory_space<hbm>>
      %dma_start3A_49 = tpu.memref_slice %arg4[%add3A_47] : memref<327680xi32, #tpu.memory_space<hbm>> -> memref<64xi32, #tpu.memory_space<hbm>>
      tpu.enqueue_dma source(%dma_start3A_49 : memref<64xi32, #tpu.memory_space<hbm>>) target(%arg9 : memref<64xi32, #tpu.memory_space<vmem>>) target_semaphore(%arg22 : memref<!tpu.dma_semaphore, #tpu.memory_space<semaphore_mem>>)
      %dma_start3A_50 = arith.constant 2 : i32
      %dma_start3A_51 = arith.constant 0 : i32
      %dma_start3A_52 = tpu.memref_slice %arg7[%dma_start3A_50, %dma_start3A_51] : memref<80x64xi32, #tpu.memory_space<vmem>> -> memref<1x64xi32, #tpu.memory_space<vmem>>
      %dma_start3A_53 = tpu.memref_squeeze %dma_start3A_52 : memref<1x64xi32, #tpu.memory_space<vmem>> -> memref<64xi32, #tpu.memory_space<vmem>>
      %dma_start3A_54 = arith.constant 0 : i32
      %dma_start3A_55 = arith.constant 0 : i32
      %dma_start3A_56 = tpu.memref_slice %arg2[%dma_start3A_54, %dma_start3A_55] : memref<10000x128xf32, #tpu.memory_space<hbm>> -> memref<10000x128xf32, #tpu.memory_space<hbm>>
      tpu.enqueue_indirect_dma source(%dma_start3A_56 : memref<10000x128xf32, #tpu.memory_space<hbm>>) target(%arg14 : memref<64x128xf32, #tpu.memory_space<vmem>>) offsets(%dma_start3A_53 : memref<64xi32, #tpu.memory_space<vmem>>) semaphore(%arg19 : memref<!tpu.dma_semaphore, #tpu.memory_space<semaphore_mem>>)
      %add3A_57 = arith.constant 2 : i32
      %add3A_58 = arith.addi %add3A_22, %add3A_57 : i32
      %mul3A_59 = arith.constant 64 : i32
      %mul3A_60 = arith.muli %add3A_58, %mul3A_59 : i32
      %add3A_61 = arith.addi %mul3A_2, %mul3A_60 : i32
      %dma_start3A_62 = tpu.memref_slice %arg4[%add3A_61] : memref<327680xi32, #tpu.memory_space<hbm>> -> memref<64xi32, #tpu.memory_space<hbm>>
      %dma_start3A_63 = tpu.memref_slice %arg4[%add3A_61] : memref<327680xi32, #tpu.memory_space<hbm>> -> memref<64xi32, #tpu.memory_space<hbm>>
      tpu.enqueue_dma source(%dma_start3A_63 : memref<64xi32, #tpu.memory_space<hbm>>) target(%arg10 : memref<64xi32, #tpu.memory_space<vmem>>) target_semaphore(%arg23 : memref<!tpu.dma_semaphore, #tpu.memory_space<semaphore_mem>>)
      %dma_start3A_64 = arith.constant 3 : i32
      %dma_start3A_65 = arith.constant 0 : i32
      %dma_start3A_66 = tpu.memref_slice %arg7[%dma_start3A_64, %dma_start3A_65] : memref<80x64xi32, #tpu.memory_space<vmem>> -> memref<1x64xi32, #tpu.memory_space<vmem>>
      %dma_start3A_67 = tpu.memref_squeeze %dma_start3A_66 : memref<1x64xi32, #tpu.memory_space<vmem>> -> memref<64xi32, #tpu.memory_space<vmem>>
      %dma_start3A_68 = arith.constant 0 : i32
      %dma_start3A_69 = arith.constant 0 : i32
      %dma_start3A_70 = tpu.memref_slice %arg2[%dma_start3A_68, %dma_start3A_69] : memref<10000x128xf32, #tpu.memory_space<hbm>> -> memref<10000x128xf32, #tpu.memory_space<hbm>>
      tpu.enqueue_indirect_dma source(%dma_start3A_70 : memref<10000x128xf32, #tpu.memory_space<hbm>>) target(%arg15 : memref<64x128xf32, #tpu.memory_space<vmem>>) offsets(%dma_start3A_67 : memref<64xi32, #tpu.memory_space<vmem>>) semaphore(%arg20 : memref<!tpu.dma_semaphore, #tpu.memory_space<semaphore_mem>>)
      %add3A_71 = arith.constant 3 : i32
      %add3A_72 = arith.addi %add3A_22, %add3A_71 : i32
      %mul3A_73 = arith.constant 64 : i32
      %mul3A_74 = arith.muli %add3A_72, %mul3A_73 : i32
      %add3A_75 = arith.addi %mul3A_2, %mul3A_74 : i32
      %dma_start3A_76 = tpu.memref_slice %arg4[%add3A_75] : memref<327680xi32, #tpu.memory_space<hbm>> -> memref<64xi32, #tpu.memory_space<hbm>>
      %dma_start3A_77 = tpu.memref_slice %arg4[%add3A_75] : memref<327680xi32, #tpu.memory_space<hbm>> -> memref<64xi32, #tpu.memory_space<hbm>>
      tpu.enqueue_dma source(%dma_start3A_77 : memref<64xi32, #tpu.memory_space<hbm>>) target(%arg11 : memref<64xi32, #tpu.memory_space<vmem>>) target_semaphore(%arg24 : memref<!tpu.dma_semaphore, #tpu.memory_space<semaphore_mem>>)
      %scan3A_78 = arith.constant 0 : i32
      %scan3A_79 = arith.constant 20 : i32
      %scan3A_80 = arith.addi %scan3A_78, %scan3A_79 : i32
      %scan3A_81 = arith.constant 1 : i32
      scf.for %scan3A_83 = %scan3A_78 to %scan3A_80 step %scan3A_81  : i32 {
        %mul3A_84 = arith.constant 4 : i32
        %mul3A_85 = arith.muli %scan3A_83, %mul3A_84 : i32
        %add3A_86 = arith.constant 0 : i32
        %add3A_87 = arith.addi %add3A_86, %mul3A_85 : i32
        %add3A_88 = arith.constant 0 : i32
        %add3A_89 = arith.addi %add3A_87, %add3A_88 : i32
        %dma_wait3A = arith.constant 0 : i32
        %dma_wait3A_90 = tpu.memref_slice %arg7[%add3A_89, %dma_wait3A] : memref<80x64xi32, #tpu.memory_space<vmem>> -> memref<1x64xi32, #tpu.memory_space<vmem>>
        %dma_wait3A_91 = tpu.memref_squeeze %dma_wait3A_90 : memref<1x64xi32, #tpu.memory_space<vmem>> -> memref<64xi32, #tpu.memory_space<vmem>>
        %dma_wait3A_92 = arith.constant 0 : i32
        %dma_wait3A_93 = arith.constant 0 : i32
        %dma_wait3A_94 = tpu.memref_slice %arg2[%dma_wait3A_92, %dma_wait3A_93] : memref<10000x128xf32, #tpu.memory_space<hbm>> -> memref<10000x128xf32, #tpu.memory_space<hbm>>
        tpu.wait_indirect_dma semaphore(%arg17 : memref<!tpu.dma_semaphore, #tpu.memory_space<semaphore_mem>>) src(%dma_wait3A_94 : memref<10000x128xf32, #tpu.memory_space<hbm>>) dst(%arg12 : memref<64x128xf32, #tpu.memory_space<vmem>>)
        %add3A_95 = arith.addi %add3A_22, %add3A_87 : i32
        %add3A_96 = arith.constant 0 : i32
        %add3A_97 = arith.addi %add3A_95, %add3A_96 : i32
        %mul3A_98 = arith.constant 64 : i32
        %mul3A_99 = arith.muli %add3A_97, %mul3A_98 : i32
        %add3A_100 = arith.addi %mul3A_2, %mul3A_99 : i32
        %dma_wait3A_101 = tpu.memref_slice %arg4[%add3A_100] : memref<327680xi32, #tpu.memory_space<hbm>> -> memref<64xi32, #tpu.memory_space<hbm>>
        %dma_wait3A_102 = tpu.memref_slice %arg4[%add3A_100] : memref<327680xi32, #tpu.memory_space<hbm>> -> memref<64xi32, #tpu.memory_space<hbm>>
        tpu.wait_dma2 semaphore(%arg21 : memref<!tpu.dma_semaphore, #tpu.memory_space<semaphore_mem>>) src(%dma_wait3A_102 : memref<64xi32, #tpu.memory_space<hbm>>) dst(%arg8 : memref<64xi32, #tpu.memory_space<vmem>>)
        "tpu.region"() ({
          %run_scoped3A = tpu.sem_alloc : memref<!tpu.dma_semaphore, #tpu.memory_space<semaphore_mem>>
          %dma_start3A_186 = arith.constant 0 : i32
          %dma_start3A_187 = arith.constant 0 : i32
          %dma_start3A_188 = tpu.memref_slice %arg16[%dma_start3A_186, %dma_start3A_187] : memref<10112x128xf32, #tpu.memory_space<vmem_shared>> -> memref<10112x128xf32, #tpu.memory_space<vmem_shared>>
          tpu.enqueue_indirect_dma source(%arg12 : memref<64x128xf32, #tpu.memory_space<vmem>>) target(%dma_start3A_188 : memref<10112x128xf32, #tpu.memory_space<vmem_shared>>) offsets(%arg8 : memref<64xi32, #tpu.memory_space<vmem>>) semaphore(%run_scoped3A : memref<!tpu.dma_semaphore, #tpu.memory_space<semaphore_mem>>) {add = true}
          %dma_wait3A_189 = arith.constant 0 : i32
          %dma_wait3A_190 = arith.constant 0 : i32
          %dma_wait3A_191 = tpu.memref_slice %arg16[%dma_wait3A_189, %dma_wait3A_190] : memref<10112x128xf32, #tpu.memory_space<vmem_shared>> -> memref<10112x128xf32, #tpu.memory_space<vmem_shared>>
          tpu.wait_indirect_dma semaphore(%run_scoped3A : memref<!tpu.dma_semaphore, #tpu.memory_space<semaphore_mem>>) src(%arg12 : memref<64x128xf32, #tpu.memory_space<vmem>>) dst(%dma_wait3A_191 : memref<10112x128xf32, #tpu.memory_space<vmem_shared>>)
          tpu.yield
        }) : () -> ()
        %add3A_103 = arith.constant 0 : i32
        %add3A_104 = arith.addi %add3A_87, %add3A_103 : i32
        %add3A_105 = arith.constant 4 : i32
        %add3A_106 = arith.addi %add3A_104, %add3A_105 : i32
        %lt3A = arith.constant 80 : i32
        %lt3A_107 = arith.cmpi slt, %add3A_106, %lt3A : i32
        %convert_element_type3A_108 = arith.extui %lt3A_107 : i1 to i32
        %cond3A_109 = arith.constant 0 : i32
        %cond3A_110 = arith.cmpi ne, %convert_element_type3A_108, %cond3A_109 : i32
        scf.if %cond3A_110 {
          %add3A_186 = arith.constant 0 : i32
          %add3A_187 = arith.addi %add3A_87, %add3A_186 : i32
          %add3A_188 = arith.constant 4 : i32
          %add3A_189 = arith.addi %add3A_187, %add3A_188 : i32
          %dma_start3A_190 = arith.constant 0 : i32
          %dma_start3A_191 = tpu.memref_slice %arg7[%add3A_189, %dma_start3A_190] : memref<80x64xi32, #tpu.memory_space<vmem>> -> memref<1x64xi32, #tpu.memory_space<vmem>>
          %dma_start3A_192 = tpu.memref_squeeze %dma_start3A_191 : memref<1x64xi32, #tpu.memory_space<vmem>> -> memref<64xi32, #tpu.memory_space<vmem>>
          %dma_start3A_193 = arith.constant 0 : i32
          %dma_start3A_194 = arith.constant 0 : i32
          %dma_start3A_195 = tpu.memref_slice %arg2[%dma_start3A_193, %dma_start3A_194] : memref<10000x128xf32, #tpu.memory_space<hbm>> -> memref<10000x128xf32, #tpu.memory_space<hbm>>
          tpu.enqueue_indirect_dma source(%dma_start3A_195 : memref<10000x128xf32, #tpu.memory_space<hbm>>) target(%arg12 : memref<64x128xf32, #tpu.memory_space<vmem>>) offsets(%dma_start3A_192 : memref<64xi32, #tpu.memory_space<vmem>>) semaphore(%arg17 : memref<!tpu.dma_semaphore, #tpu.memory_space<semaphore_mem>>)
          %add3A_196 = arith.addi %add3A_22, %add3A_87 : i32
          %add3A_197 = arith.constant 0 : i32
          %add3A_198 = arith.addi %add3A_196, %add3A_197 : i32
          %add3A_199 = arith.constant 4 : i32
          %add3A_200 = arith.addi %add3A_198, %add3A_199 : i32
          %mul3A_201 = arith.constant 64 : i32
          %mul3A_202 = arith.muli %add3A_200, %mul3A_201 : i32
          %add3A_203 = arith.addi %mul3A_2, %mul3A_202 : i32
          %dma_start3A_204 = tpu.memref_slice %arg4[%add3A_203] : memref<327680xi32, #tpu.memory_space<hbm>> -> memref<64xi32, #tpu.memory_space<hbm>>
          %dma_start3A_205 = tpu.memref_slice %arg4[%add3A_203] : memref<327680xi32, #tpu.memory_space<hbm>> -> memref<64xi32, #tpu.memory_space<hbm>>
          tpu.enqueue_dma source(%dma_start3A_205 : memref<64xi32, #tpu.memory_space<hbm>>) target(%arg8 : memref<64xi32, #tpu.memory_space<vmem>>) target_semaphore(%arg21 : memref<!tpu.dma_semaphore, #tpu.memory_space<semaphore_mem>>)
        } else {
        }
        %add3A_111 = arith.constant 1 : i32
        %add3A_112 = arith.addi %add3A_87, %add3A_111 : i32
        %dma_wait3A_113 = arith.constant 0 : i32
        %dma_wait3A_114 = tpu.memref_slice %arg7[%add3A_112, %dma_wait3A_113] : memref<80x64xi32, #tpu.memory_space<vmem>> -> memref<1x64xi32, #tpu.memory_space<vmem>>
        %dma_wait3A_115 = tpu.memref_squeeze %dma_wait3A_114 : memref<1x64xi32, #tpu.memory_space<vmem>> -> memref<64xi32, #tpu.memory_space<vmem>>
        %dma_wait3A_116 = arith.constant 0 : i32
        %dma_wait3A_117 = arith.constant 0 : i32
        %dma_wait3A_118 = tpu.memref_slice %arg2[%dma_wait3A_116, %dma_wait3A_117] : memref<10000x128xf32, #tpu.memory_space<hbm>> -> memref<10000x128xf32, #tpu.memory_space<hbm>>
        tpu.wait_indirect_dma semaphore(%arg18 : memref<!tpu.dma_semaphore, #tpu.memory_space<semaphore_mem>>) src(%dma_wait3A_118 : memref<10000x128xf32, #tpu.memory_space<hbm>>) dst(%arg13 : memref<64x128xf32, #tpu.memory_space<vmem>>)
        %add3A_119 = arith.addi %add3A_22, %add3A_87 : i32
        %add3A_120 = arith.constant 1 : i32
        %add3A_121 = arith.addi %add3A_119, %add3A_120 : i32
        %mul3A_122 = arith.constant 64 : i32
        %mul3A_123 = arith.muli %add3A_121, %mul3A_122 : i32
        %add3A_124 = arith.addi %mul3A_2, %mul3A_123 : i32
        %dma_wait3A_125 = tpu.memref_slice %arg4[%add3A_124] : memref<327680xi32, #tpu.memory_space<hbm>> -> memref<64xi32, #tpu.memory_space<hbm>>
        %dma_wait3A_126 = tpu.memref_slice %arg4[%add3A_124] : memref<327680xi32, #tpu.memory_space<hbm>> -> memref<64xi32, #tpu.memory_space<hbm>>
        tpu.wait_dma2 semaphore(%arg22 : memref<!tpu.dma_semaphore, #tpu.memory_space<semaphore_mem>>) src(%dma_wait3A_126 : memref<64xi32, #tpu.memory_space<hbm>>) dst(%arg9 : memref<64xi32, #tpu.memory_space<vmem>>)
        "tpu.region"() ({
          %run_scoped3A = tpu.sem_alloc : memref<!tpu.dma_semaphore, #tpu.memory_space<semaphore_mem>>
          %dma_start3A_186 = arith.constant 0 : i32
          %dma_start3A_187 = arith.constant 0 : i32
          %dma_start3A_188 = tpu.memref_slice %arg16[%dma_start3A_186, %dma_start3A_187] : memref<10112x128xf32, #tpu.memory_space<vmem_shared>> -> memref<10112x128xf32, #tpu.memory_space<vmem_shared>>
          tpu.enqueue_indirect_dma source(%arg13 : memref<64x128xf32, #tpu.memory_space<vmem>>) target(%dma_start3A_188 : memref<10112x128xf32, #tpu.memory_space<vmem_shared>>) offsets(%arg9 : memref<64xi32, #tpu.memory_space<vmem>>) semaphore(%run_scoped3A : memref<!tpu.dma_semaphore, #tpu.memory_space<semaphore_mem>>) {add = true}
          %dma_wait3A_189 = arith.constant 0 : i32
          %dma_wait3A_190 = arith.constant 0 : i32
          %dma_wait3A_191 = tpu.memref_slice %arg16[%dma_wait3A_189, %dma_wait3A_190] : memref<10112x128xf32, #tpu.memory_space<vmem_shared>> -> memref<10112x128xf32, #tpu.memory_space<vmem_shared>>
          tpu.wait_indirect_dma semaphore(%run_scoped3A : memref<!tpu.dma_semaphore, #tpu.memory_space<semaphore_mem>>) src(%arg13 : memref<64x128xf32, #tpu.memory_space<vmem>>) dst(%dma_wait3A_191 : memref<10112x128xf32, #tpu.memory_space<vmem_shared>>)
          tpu.yield
        }) : () -> ()
        %add3A_127 = arith.constant 1 : i32
        %add3A_128 = arith.addi %add3A_87, %add3A_127 : i32
        %add3A_129 = arith.constant 4 : i32
        %add3A_130 = arith.addi %add3A_128, %add3A_129 : i32
        %lt3A_131 = arith.constant 80 : i32
        %lt3A_132 = arith.cmpi slt, %add3A_130, %lt3A_131 : i32
        %convert_element_type3A_133 = arith.extui %lt3A_132 : i1 to i32
        %cond3A_134 = arith.constant 0 : i32
        %cond3A_135 = arith.cmpi ne, %convert_element_type3A_133, %cond3A_134 : i32
        scf.if %cond3A_135 {
          %add3A_186 = arith.constant 1 : i32
          %add3A_187 = arith.addi %add3A_87, %add3A_186 : i32
          %add3A_188 = arith.constant 4 : i32
          %add3A_189 = arith.addi %add3A_187, %add3A_188 : i32
          %dma_start3A_190 = arith.constant 0 : i32
          %dma_start3A_191 = tpu.memref_slice %arg7[%add3A_189, %dma_start3A_190] : memref<80x64xi32, #tpu.memory_space<vmem>> -> memref<1x64xi32, #tpu.memory_space<vmem>>
          %dma_start3A_192 = tpu.memref_squeeze %dma_start3A_191 : memref<1x64xi32, #tpu.memory_space<vmem>> -> memref<64xi32, #tpu.memory_space<vmem>>
          %dma_start3A_193 = arith.constant 0 : i32
          %dma_start3A_194 = arith.constant 0 : i32
          %dma_start3A_195 = tpu.memref_slice %arg2[%dma_start3A_193, %dma_start3A_194] : memref<10000x128xf32, #tpu.memory_space<hbm>> -> memref<10000x128xf32, #tpu.memory_space<hbm>>
          tpu.enqueue_indirect_dma source(%dma_start3A_195 : memref<10000x128xf32, #tpu.memory_space<hbm>>) target(%arg13 : memref<64x128xf32, #tpu.memory_space<vmem>>) offsets(%dma_start3A_192 : memref<64xi32, #tpu.memory_space<vmem>>) semaphore(%arg18 : memref<!tpu.dma_semaphore, #tpu.memory_space<semaphore_mem>>)
          %add3A_196 = arith.addi %add3A_22, %add3A_87 : i32
          %add3A_197 = arith.constant 1 : i32
          %add3A_198 = arith.addi %add3A_196, %add3A_197 : i32
          %add3A_199 = arith.constant 4 : i32
          %add3A_200 = arith.addi %add3A_198, %add3A_199 : i32
          %mul3A_201 = arith.constant 64 : i32
          %mul3A_202 = arith.muli %add3A_200, %mul3A_201 : i32
          %add3A_203 = arith.addi %mul3A_2, %mul3A_202 : i32
          %dma_start3A_204 = tpu.memref_slice %arg4[%add3A_203] : memref<327680xi32, #tpu.memory_space<hbm>> -> memref<64xi32, #tpu.memory_space<hbm>>
          %dma_start3A_205 = tpu.memref_slice %arg4[%add3A_203] : memref<327680xi32, #tpu.memory_space<hbm>> -> memref<64xi32, #tpu.memory_space<hbm>>
          tpu.enqueue_dma source(%dma_start3A_205 : memref<64xi32, #tpu.memory_space<hbm>>) target(%arg9 : memref<64xi32, #tpu.memory_space<vmem>>) target_semaphore(%arg22 : memref<!tpu.dma_semaphore, #tpu.memory_space<semaphore_mem>>)
        } else {
        }
        %add3A_136 = arith.constant 2 : i32
        %add3A_137 = arith.addi %add3A_87, %add3A_136 : i32
        %dma_wait3A_138 = arith.constant 0 : i32
        %dma_wait3A_139 = tpu.memref_slice %arg7[%add3A_137, %dma_wait3A_138] : memref<80x64xi32, #tpu.memory_space<vmem>> -> memref<1x64xi32, #tpu.memory_space<vmem>>
        %dma_wait3A_140 = tpu.memref_squeeze %dma_wait3A_139 : memref<1x64xi32, #tpu.memory_space<vmem>> -> memref<64xi32, #tpu.memory_space<vmem>>
        %dma_wait3A_141 = arith.constant 0 : i32
        %dma_wait3A_142 = arith.constant 0 : i32
        %dma_wait3A_143 = tpu.memref_slice %arg2[%dma_wait3A_141, %dma_wait3A_142] : memref<10000x128xf32, #tpu.memory_space<hbm>> -> memref<10000x128xf32, #tpu.memory_space<hbm>>
        tpu.wait_indirect_dma semaphore(%arg19 : memref<!tpu.dma_semaphore, #tpu.memory_space<semaphore_mem>>) src(%dma_wait3A_143 : memref<10000x128xf32, #tpu.memory_space<hbm>>) dst(%arg14 : memref<64x128xf32, #tpu.memory_space<vmem>>)
        %add3A_144 = arith.addi %add3A_22, %add3A_87 : i32
        %add3A_145 = arith.constant 2 : i32
        %add3A_146 = arith.addi %add3A_144, %add3A_145 : i32
        %mul3A_147 = arith.constant 64 : i32
        %mul3A_148 = arith.muli %add3A_146, %mul3A_147 : i32
        %add3A_149 = arith.addi %mul3A_2, %mul3A_148 : i32
        %dma_wait3A_150 = tpu.memref_slice %arg4[%add3A_149] : memref<327680xi32, #tpu.memory_space<hbm>> -> memref<64xi32, #tpu.memory_space<hbm>>
        %dma_wait3A_151 = tpu.memref_slice %arg4[%add3A_149] : memref<327680xi32, #tpu.memory_space<hbm>> -> memref<64xi32, #tpu.memory_space<hbm>>
        tpu.wait_dma2 semaphore(%arg23 : memref<!tpu.dma_semaphore, #tpu.memory_space<semaphore_mem>>) src(%dma_wait3A_151 : memref<64xi32, #tpu.memory_space<hbm>>) dst(%arg10 : memref<64xi32, #tpu.memory_space<vmem>>)
        "tpu.region"() ({
          %run_scoped3A = tpu.sem_alloc : memref<!tpu.dma_semaphore, #tpu.memory_space<semaphore_mem>>
          %dma_start3A_186 = arith.constant 0 : i32
          %dma_start3A_187 = arith.constant 0 : i32
          %dma_start3A_188 = tpu.memref_slice %arg16[%dma_start3A_186, %dma_start3A_187] : memref<10112x128xf32, #tpu.memory_space<vmem_shared>> -> memref<10112x128xf32, #tpu.memory_space<vmem_shared>>
          tpu.enqueue_indirect_dma source(%arg14 : memref<64x128xf32, #tpu.memory_space<vmem>>) target(%dma_start3A_188 : memref<10112x128xf32, #tpu.memory_space<vmem_shared>>) offsets(%arg10 : memref<64xi32, #tpu.memory_space<vmem>>) semaphore(%run_scoped3A : memref<!tpu.dma_semaphore, #tpu.memory_space<semaphore_mem>>) {add = true}
          %dma_wait3A_189 = arith.constant 0 : i32
          %dma_wait3A_190 = arith.constant 0 : i32
          %dma_wait3A_191 = tpu.memref_slice %arg16[%dma_wait3A_189, %dma_wait3A_190] : memref<10112x128xf32, #tpu.memory_space<vmem_shared>> -> memref<10112x128xf32, #tpu.memory_space<vmem_shared>>
          tpu.wait_indirect_dma semaphore(%run_scoped3A : memref<!tpu.dma_semaphore, #tpu.memory_space<semaphore_mem>>) src(%arg14 : memref<64x128xf32, #tpu.memory_space<vmem>>) dst(%dma_wait3A_191 : memref<10112x128xf32, #tpu.memory_space<vmem_shared>>)
          tpu.yield
        }) : () -> ()
        %add3A_152 = arith.constant 2 : i32
        %add3A_153 = arith.addi %add3A_87, %add3A_152 : i32
        %add3A_154 = arith.constant 4 : i32
        %add3A_155 = arith.addi %add3A_153, %add3A_154 : i32
        %lt3A_156 = arith.constant 80 : i32
        %lt3A_157 = arith.cmpi slt, %add3A_155, %lt3A_156 : i32
        %convert_element_type3A_158 = arith.extui %lt3A_157 : i1 to i32
        %cond3A_159 = arith.constant 0 : i32
        %cond3A_160 = arith.cmpi ne, %convert_element_type3A_158, %cond3A_159 : i32
        scf.if %cond3A_160 {
          %add3A_186 = arith.constant 2 : i32
          %add3A_187 = arith.addi %add3A_87, %add3A_186 : i32
          %add3A_188 = arith.constant 4 : i32
          %add3A_189 = arith.addi %add3A_187, %add3A_188 : i32
          %dma_start3A_190 = arith.constant 0 : i32
          %dma_start3A_191 = tpu.memref_slice %arg7[%add3A_189, %dma_start3A_190] : memref<80x64xi32, #tpu.memory_space<vmem>> -> memref<1x64xi32, #tpu.memory_space<vmem>>
          %dma_start3A_192 = tpu.memref_squeeze %dma_start3A_191 : memref<1x64xi32, #tpu.memory_space<vmem>> -> memref<64xi32, #tpu.memory_space<vmem>>
          %dma_start3A_193 = arith.constant 0 : i32
          %dma_start3A_194 = arith.constant 0 : i32
          %dma_start3A_195 = tpu.memref_slice %arg2[%dma_start3A_193, %dma_start3A_194] : memref<10000x128xf32, #tpu.memory_space<hbm>> -> memref<10000x128xf32, #tpu.memory_space<hbm>>
          tpu.enqueue_indirect_dma source(%dma_start3A_195 : memref<10000x128xf32, #tpu.memory_space<hbm>>) target(%arg14 : memref<64x128xf32, #tpu.memory_space<vmem>>) offsets(%dma_start3A_192 : memref<64xi32, #tpu.memory_space<vmem>>) semaphore(%arg19 : memref<!tpu.dma_semaphore, #tpu.memory_space<semaphore_mem>>)
          %add3A_196 = arith.addi %add3A_22, %add3A_87 : i32
          %add3A_197 = arith.constant 2 : i32
          %add3A_198 = arith.addi %add3A_196, %add3A_197 : i32
          %add3A_199 = arith.constant 4 : i32
          %add3A_200 = arith.addi %add3A_198, %add3A_199 : i32
          %mul3A_201 = arith.constant 64 : i32
          %mul3A_202 = arith.muli %add3A_200, %mul3A_201 : i32
          %add3A_203 = arith.addi %mul3A_2, %mul3A_202 : i32
          %dma_start3A_204 = tpu.memref_slice %arg4[%add3A_203] : memref<327680xi32, #tpu.memory_space<hbm>> -> memref<64xi32, #tpu.memory_space<hbm>>
          %dma_start3A_205 = tpu.memref_slice %arg4[%add3A_203] : memref<327680xi32, #tpu.memory_space<hbm>> -> memref<64xi32, #tpu.memory_space<hbm>>
          tpu.enqueue_dma source(%dma_start3A_205 : memref<64xi32, #tpu.memory_space<hbm>>) target(%arg10 : memref<64xi32, #tpu.memory_space<vmem>>) target_semaphore(%arg23 : memref<!tpu.dma_semaphore, #tpu.memory_space<semaphore_mem>>)
        } else {
        }
        %add3A_161 = arith.constant 3 : i32
        %add3A_162 = arith.addi %add3A_87, %add3A_161 : i32
        %dma_wait3A_163 = arith.constant 0 : i32
        %dma_wait3A_164 = tpu.memref_slice %arg7[%add3A_162, %dma_wait3A_163] : memref<80x64xi32, #tpu.memory_space<vmem>> -> memref<1x64xi32, #tpu.memory_space<vmem>>
        %dma_wait3A_165 = tpu.memref_squeeze %dma_wait3A_164 : memref<1x64xi32, #tpu.memory_space<vmem>> -> memref<64xi32, #tpu.memory_space<vmem>>
        %dma_wait3A_166 = arith.constant 0 : i32
        %dma_wait3A_167 = arith.constant 0 : i32
        %dma_wait3A_168 = tpu.memref_slice %arg2[%dma_wait3A_166, %dma_wait3A_167] : memref<10000x128xf32, #tpu.memory_space<hbm>> -> memref<10000x128xf32, #tpu.memory_space<hbm>>
        tpu.wait_indirect_dma semaphore(%arg20 : memref<!tpu.dma_semaphore, #tpu.memory_space<semaphore_mem>>) src(%dma_wait3A_168 : memref<10000x128xf32, #tpu.memory_space<hbm>>) dst(%arg15 : memref<64x128xf32, #tpu.memory_space<vmem>>)
        %add3A_169 = arith.addi %add3A_22, %add3A_87 : i32
        %add3A_170 = arith.constant 3 : i32
        %add3A_171 = arith.addi %add3A_169, %add3A_170 : i32
        %mul3A_172 = arith.constant 64 : i32
        %mul3A_173 = arith.muli %add3A_171, %mul3A_172 : i32
        %add3A_174 = arith.addi %mul3A_2, %mul3A_173 : i32
        %dma_wait3A_175 = tpu.memref_slice %arg4[%add3A_174] : memref<327680xi32, #tpu.memory_space<hbm>> -> memref<64xi32, #tpu.memory_space<hbm>>
        %dma_wait3A_176 = tpu.memref_slice %arg4[%add3A_174] : memref<327680xi32, #tpu.memory_space<hbm>> -> memref<64xi32, #tpu.memory_space<hbm>>
        tpu.wait_dma2 semaphore(%arg24 : memref<!tpu.dma_semaphore, #tpu.memory_space<semaphore_mem>>) src(%dma_wait3A_176 : memref<64xi32, #tpu.memory_space<hbm>>) dst(%arg11 : memref<64xi32, #tpu.memory_space<vmem>>)
        "tpu.region"() ({
          %run_scoped3A = tpu.sem_alloc : memref<!tpu.dma_semaphore, #tpu.memory_space<semaphore_mem>>
          %dma_start3A_186 = arith.constant 0 : i32
          %dma_start3A_187 = arith.constant 0 : i32
          %dma_start3A_188 = tpu.memref_slice %arg16[%dma_start3A_186, %dma_start3A_187] : memref<10112x128xf32, #tpu.memory_space<vmem_shared>> -> memref<10112x128xf32, #tpu.memory_space<vmem_shared>>
          tpu.enqueue_indirect_dma source(%arg15 : memref<64x128xf32, #tpu.memory_space<vmem>>) target(%dma_start3A_188 : memref<10112x128xf32, #tpu.memory_space<vmem_shared>>) offsets(%arg11 : memref<64xi32, #tpu.memory_space<vmem>>) semaphore(%run_scoped3A : memref<!tpu.dma_semaphore, #tpu.memory_space<semaphore_mem>>) {add = true}
          %dma_wait3A_189 = arith.constant 0 : i32
          %dma_wait3A_190 = arith.constant 0 : i32
          %dma_wait3A_191 = tpu.memref_slice %arg16[%dma_wait3A_189, %dma_wait3A_190] : memref<10112x128xf32, #tpu.memory_space<vmem_shared>> -> memref<10112x128xf32, #tpu.memory_space<vmem_shared>>
          tpu.wait_indirect_dma semaphore(%run_scoped3A : memref<!tpu.dma_semaphore, #tpu.memory_space<semaphore_mem>>) src(%arg15 : memref<64x128xf32, #tpu.memory_space<vmem>>) dst(%dma_wait3A_191 : memref<10112x128xf32, #tpu.memory_space<vmem_shared>>)
          tpu.yield
        }) : () -> ()
        %add3A_177 = arith.constant 3 : i32
        %add3A_178 = arith.addi %add3A_87, %add3A_177 : i32
        %add3A_179 = arith.constant 4 : i32
        %add3A_180 = arith.addi %add3A_178, %add3A_179 : i32
        %lt3A_181 = arith.constant 80 : i32
        %lt3A_182 = arith.cmpi slt, %add3A_180, %lt3A_181 : i32
        %convert_element_type3A_183 = arith.extui %lt3A_182 : i1 to i32
        %cond3A_184 = arith.constant 0 : i32
        %cond3A_185 = arith.cmpi ne, %convert_element_type3A_183, %cond3A_184 : i32
        scf.if %cond3A_185 {
          %add3A_186 = arith.constant 3 : i32
          %add3A_187 = arith.addi %add3A_87, %add3A_186 : i32
          %add3A_188 = arith.constant 4 : i32
          %add3A_189 = arith.addi %add3A_187, %add3A_188 : i32
          %dma_start3A_190 = arith.constant 0 : i32
          %dma_start3A_191 = tpu.memref_slice %arg7[%add3A_189, %dma_start3A_190] : memref<80x64xi32, #tpu.memory_space<vmem>> -> memref<1x64xi32, #tpu.memory_space<vmem>>
          %dma_start3A_192 = tpu.memref_squeeze %dma_start3A_191 : memref<1x64xi32, #tpu.memory_space<vmem>> -> memref<64xi32, #tpu.memory_space<vmem>>
          %dma_start3A_193 = arith.constant 0 : i32
          %dma_start3A_194 = arith.constant 0 : i32
          %dma_start3A_195 = tpu.memref_slice %arg2[%dma_start3A_193, %dma_start3A_194] : memref<10000x128xf32, #tpu.memory_space<hbm>> -> memref<10000x128xf32, #tpu.memory_space<hbm>>
          tpu.enqueue_indirect_dma source(%dma_start3A_195 : memref<10000x128xf32, #tpu.memory_space<hbm>>) target(%arg15 : memref<64x128xf32, #tpu.memory_space<vmem>>) offsets(%dma_start3A_192 : memref<64xi32, #tpu.memory_space<vmem>>) semaphore(%arg20 : memref<!tpu.dma_semaphore, #tpu.memory_space<semaphore_mem>>)
          %add3A_196 = arith.addi %add3A_22, %add3A_87 : i32
          %add3A_197 = arith.constant 3 : i32
          %add3A_198 = arith.addi %add3A_196, %add3A_197 : i32
          %add3A_199 = arith.constant 4 : i32
          %add3A_200 = arith.addi %add3A_198, %add3A_199 : i32
          %mul3A_201 = arith.constant 64 : i32
          %mul3A_202 = arith.muli %add3A_200, %mul3A_201 : i32
          %add3A_203 = arith.addi %mul3A_2, %mul3A_202 : i32
          %dma_start3A_204 = tpu.memref_slice %arg4[%add3A_203] : memref<327680xi32, #tpu.memory_space<hbm>> -> memref<64xi32, #tpu.memory_space<hbm>>
          %dma_start3A_205 = tpu.memref_slice %arg4[%add3A_203] : memref<327680xi32, #tpu.memory_space<hbm>> -> memref<64xi32, #tpu.memory_space<hbm>>
          tpu.enqueue_dma source(%dma_start3A_205 : memref<64xi32, #tpu.memory_space<hbm>>) target(%arg11 : memref<64xi32, #tpu.memory_space<vmem>>) target_semaphore(%arg24 : memref<!tpu.dma_semaphore, #tpu.memory_space<semaphore_mem>>)
        } else {
        }
      }
      %scan3A_82 = arith.constant 20 : i32
    }
    %scan3A_10 = arith.constant 2 : i32
    %barrier3A_11 = arith.constant 0 : index
    tpu.barrier barrier_id(%barrier3A_11)
    %mul3A_12 = arith.constant 624 : i32
    %mul3A_13 = arith.muli %arg1, %mul3A_12 : i32
    %mul3A_14 = arith.constant 624 : i32
    %mul3A_15 = arith.muli %arg1, %mul3A_14 : i32
    "tpu.region"() ({
      %run_scoped3A = tpu.sem_alloc : memref<!tpu.dma_semaphore, #tpu.memory_space<semaphore_mem>>
      %dma_start3A = arith.constant 0 : i32
      %dma_start3A_18 = tpu.memref_slice %arg6[%arg0, %mul3A_15, %dma_start3A] : memref<2x10000x128xf32, #tpu.memory_space<hbm>> -> memref<1x624x128xf32, #tpu.memory_space<hbm>>
      %dma_start3A_19 = tpu.memref_squeeze %dma_start3A_18 : memref<1x624x128xf32, #tpu.memory_space<hbm>> -> memref<624x128xf32, #tpu.memory_space<hbm>>
      %dma_start3A_20 = arith.constant 0 : i32
      %dma_start3A_21 = tpu.memref_slice %arg16[%mul3A_13, %dma_start3A_20] : memref<10112x128xf32, #tpu.memory_space<vmem_shared>> -> memref<624x128xf32, #tpu.memory_space<vmem_shared>>
      tpu.enqueue_dma source(%dma_start3A_21 : memref<624x128xf32, #tpu.memory_space<vmem_shared>>) target(%dma_start3A_19 : memref<624x128xf32, #tpu.memory_space<hbm>>) target_semaphore(%run_scoped3A : memref<!tpu.dma_semaphore, #tpu.memory_space<semaphore_mem>>)
      %dma_wait3A = arith.constant 0 : i32
      %dma_wait3A_22 = tpu.memref_slice %arg6[%arg0, %mul3A_15, %dma_wait3A] : memref<2x10000x128xf32, #tpu.memory_space<hbm>> -> memref<1x624x128xf32, #tpu.memory_space<hbm>>
      %dma_wait3A_23 = tpu.memref_squeeze %dma_wait3A_22 : memref<1x624x128xf32, #tpu.memory_space<hbm>> -> memref<624x128xf32, #tpu.memory_space<hbm>>
      %dma_wait3A_24 = arith.constant 0 : i32
      %dma_wait3A_25 = tpu.memref_slice %arg16[%mul3A_13, %dma_wait3A_24] : memref<10112x128xf32, #tpu.memory_space<vmem_shared>> -> memref<624x128xf32, #tpu.memory_space<vmem_shared>>
      tpu.wait_dma2 semaphore(%run_scoped3A : memref<!tpu.dma_semaphore, #tpu.memory_space<semaphore_mem>>) src(%dma_wait3A_25 : memref<624x128xf32, #tpu.memory_space<vmem_shared>>) dst(%dma_wait3A_23 : memref<624x128xf32, #tpu.memory_space<hbm>>)
      tpu.yield
    }) : () -> ()
    %eq3A = arith.constant 0 : i32
    %eq3A_16 = arith.cmpi eq, %arg1, %eq3A : i32
    %convert_element_type3A = arith.extui %eq3A_16 : i1 to i32
    %cond3A = arith.constant 0 : i32
    %cond3A_17 = arith.cmpi ne, %convert_element_type3A, %cond3A : i32
    scf.if %cond3A_17 {
      "tpu.region"() ({
        %run_scoped3A = tpu.sem_alloc : memref<!tpu.dma_semaphore, #tpu.memory_space<semaphore_mem>>
        %dma_start3A = arith.constant 9984 : i32
        %dma_start3A_18 = arith.constant 0 : i32
        %dma_start3A_19 = tpu.memref_slice %arg6[%arg0, %dma_start3A, %dma_start3A_18] : memref<2x10000x128xf32, #tpu.memory_space<hbm>> -> memref<1x16x128xf32, #tpu.memory_space<hbm>>
        %dma_start3A_20 = tpu.memref_squeeze %dma_start3A_19 : memref<1x16x128xf32, #tpu.memory_space<hbm>> -> memref<16x128xf32, #tpu.memory_space<hbm>>
        %dma_start3A_21 = arith.constant 9984 : i32
        %dma_start3A_22 = arith.constant 0 : i32
        %dma_start3A_23 = tpu.memref_slice %arg16[%dma_start3A_21, %dma_start3A_22] : memref<10112x128xf32, #tpu.memory_space<vmem_shared>> -> memref<16x128xf32, #tpu.memory_space<vmem_shared>>
        tpu.enqueue_dma source(%dma_start3A_23 : memref<16x128xf32, #tpu.memory_space<vmem_shared>>) target(%dma_start3A_20 : memref<16x128xf32, #tpu.memory_space<hbm>>) target_semaphore(%run_scoped3A : memref<!tpu.dma_semaphore, #tpu.memory_space<semaphore_mem>>)
        %dma_wait3A = arith.constant 9984 : i32
        %dma_wait3A_24 = arith.constant 0 : i32
        %dma_wait3A_25 = tpu.memref_slice %arg6[%arg0, %dma_wait3A, %dma_wait3A_24] : memref<2x10000x128xf32, #tpu.memory_space<hbm>> -> memref<1x16x128xf32, #tpu.memory_space<hbm>>
        %dma_wait3A_26 = tpu.memref_squeeze %dma_wait3A_25 : memref<1x16x128xf32, #tpu.memory_space<hbm>> -> memref<16x128xf32, #tpu.memory_space<hbm>>
        %dma_wait3A_27 = arith.constant 9984 : i32
        %dma_wait3A_28 = arith.constant 0 : i32
        %dma_wait3A_29 = tpu.memref_slice %arg16[%dma_wait3A_27, %dma_wait3A_28] : memref<10112x128xf32, #tpu.memory_space<vmem_shared>> -> memref<16x128xf32, #tpu.memory_space<vmem_shared>>
        tpu.wait_dma2 semaphore(%run_scoped3A : memref<!tpu.dma_semaphore, #tpu.memory_space<semaphore_mem>>) src(%dma_wait3A_29 : memref<16x128xf32, #tpu.memory_space<vmem_shared>>) dst(%dma_wait3A_26 : memref<16x128xf32, #tpu.memory_space<hbm>>)
        tpu.yield
      }) : () -> ()
    } else {
    }
    return
  }
}

#map = affine_map<(d0, d1) -> (0)>
#map1 = affine_map<(d0, d1) -> (0, 0)>
#map2 = affine_map<(d0, d1) -> (0, 0, 0)>
module attributes {stable_mosaic.version = 14 : i64} {
  func.func @_sc_counts(%arg0: i32, %arg1: i32, %arg2: memref<327680xi32, #tpu.memory_space<hbm>>, %arg3: memref<10112x128xf32, #tpu.memory_space<hbm>>, %arg4: memref<128x128xf32, #tpu.memory_space<hbm>>, %arg5: memref<2x10000x128xf32, #tpu.memory_space<hbm>>, %arg6: memref<128xi32, #tpu.memory_space<vmem>>, %arg7: memref<128xi32, #tpu.memory_space<vmem>>, %arg8: memref<128x128xf32, #tpu.memory_space<vmem>>, %arg9: memref<10112x128xf32, #tpu.memory_space<vmem_shared>>, %arg10: memref<!tpu.dma_semaphore, #tpu.memory_space<semaphore_mem>>, %arg11: memref<!tpu.dma_semaphore, #tpu.memory_space<semaphore_mem>>) attributes {dimension_semantics = [#tpu.dimension_semantics<core_parallel>, #tpu.dimension_semantics<subcore_parallel>], iteration_bounds = array<i64: 2, 16>, scalar_prefetch = 0 : i64, scratch_operands = 6 : i64, tpu.core_type = #tpu.core_type<sc_vector_subcore>, window_params = [{transform_indices = #map}, {transform_indices = #map1}, {transform_indices = #map1}, {transform_indices = #map2}]} {
    %mul3A = arith.constant 2 : i32
    %mul3A_0 = arith.muli %arg1, %mul3A : i32
    %add3A = arith.addi %mul3A_0, %arg0 : i32
    %mul3A_1 = arith.constant 10240 : i32
    %mul3A_2 = arith.muli %add3A, %mul3A_1 : i32
    %mul3A_3 = arith.constant 632 : i32
    %mul3A_4 = arith.muli %arg1, %mul3A_3 : i32
    %mul3A_5 = arith.constant 632 : i32
    %mul3A_6 = arith.muli %arg1, %mul3A_5 : i32
    "tpu.region"() ({
      %run_scoped3A = tpu.sem_alloc : memref<!tpu.dma_semaphore, #tpu.memory_space<semaphore_mem>>
      %dma_start3A = arith.constant 0 : i32
      %dma_start3A_18 = tpu.memref_slice %arg9[%mul3A_6, %dma_start3A] : memref<10112x128xf32, #tpu.memory_space<vmem_shared>> -> memref<632x128xf32, #tpu.memory_space<vmem_shared>>
      %dma_start3A_19 = arith.constant 0 : i32
      %dma_start3A_20 = tpu.memref_slice %arg3[%mul3A_4, %dma_start3A_19] : memref<10112x128xf32, #tpu.memory_space<hbm>> -> memref<632x128xf32, #tpu.memory_space<hbm>>
      tpu.enqueue_dma source(%dma_start3A_20 : memref<632x128xf32, #tpu.memory_space<hbm>>) target(%dma_start3A_18 : memref<632x128xf32, #tpu.memory_space<vmem_shared>>) target_semaphore(%run_scoped3A : memref<!tpu.dma_semaphore, #tpu.memory_space<semaphore_mem>>)
      %dma_wait3A = arith.constant 0 : i32
      %dma_wait3A_21 = tpu.memref_slice %arg9[%mul3A_6, %dma_wait3A] : memref<10112x128xf32, #tpu.memory_space<vmem_shared>> -> memref<632x128xf32, #tpu.memory_space<vmem_shared>>
      %dma_wait3A_22 = arith.constant 0 : i32
      %dma_wait3A_23 = tpu.memref_slice %arg3[%mul3A_4, %dma_wait3A_22] : memref<10112x128xf32, #tpu.memory_space<hbm>> -> memref<632x128xf32, #tpu.memory_space<hbm>>
      tpu.wait_dma2 semaphore(%run_scoped3A : memref<!tpu.dma_semaphore, #tpu.memory_space<semaphore_mem>>) src(%dma_wait3A_23 : memref<632x128xf32, #tpu.memory_space<hbm>>) dst(%dma_wait3A_21 : memref<632x128xf32, #tpu.memory_space<vmem_shared>>)
      tpu.yield
    }) : () -> ()
    "tpu.region"() ({
      %run_scoped3A = tpu.sem_alloc : memref<!tpu.dma_semaphore, #tpu.memory_space<semaphore_mem>>
      tpu.enqueue_dma source(%arg4 : memref<128x128xf32, #tpu.memory_space<hbm>>) target(%arg8 : memref<128x128xf32, #tpu.memory_space<vmem>>) target_semaphore(%run_scoped3A : memref<!tpu.dma_semaphore, #tpu.memory_space<semaphore_mem>>)
      tpu.wait_dma2 semaphore(%run_scoped3A : memref<!tpu.dma_semaphore, #tpu.memory_space<semaphore_mem>>) src(%arg4 : memref<128x128xf32, #tpu.memory_space<hbm>>) dst(%arg8 : memref<128x128xf32, #tpu.memory_space<vmem>>)
      tpu.yield
    }) : () -> ()
    %barrier3A = arith.constant 0 : index
    tpu.barrier barrier_id(%barrier3A)
    %scan3A = arith.constant 0 : i32
    %scan3A_7 = arith.constant 40 : i32
    %scan3A_8 = arith.addi %scan3A, %scan3A_7 : i32
    %scan3A_9 = arith.constant 1 : i32
    scf.for %scan3A_18 = %scan3A to %scan3A_8 step %scan3A_9  : i32 {
      %mul3A_19 = arith.constant 2 : i32
      %mul3A_20 = arith.muli %scan3A_18, %mul3A_19 : i32
      %add3A_21 = arith.constant 0 : i32
      %add3A_22 = arith.addi %add3A_21, %mul3A_20 : i32
      %mul3A_23 = arith.constant 128 : i32
      %mul3A_24 = arith.muli %add3A_22, %mul3A_23 : i32
      %add3A_25 = arith.addi %mul3A_2, %mul3A_24 : i32
      %dma_start3A = tpu.memref_slice %arg2[%add3A_25] : memref<327680xi32, #tpu.memory_space<hbm>> -> memref<128xi32, #tpu.memory_space<hbm>>
      %dma_start3A_26 = tpu.memref_slice %arg2[%add3A_25] : memref<327680xi32, #tpu.memory_space<hbm>> -> memref<128xi32, #tpu.memory_space<hbm>>
      tpu.enqueue_dma source(%dma_start3A_26 : memref<128xi32, #tpu.memory_space<hbm>>) target(%arg6 : memref<128xi32, #tpu.memory_space<vmem>>) target_semaphore(%arg10 : memref<!tpu.dma_semaphore, #tpu.memory_space<semaphore_mem>>)
      %add3A_27 = arith.constant 1 : i32
      %add3A_28 = arith.addi %add3A_22, %add3A_27 : i32
      %mul3A_29 = arith.constant 128 : i32
      %mul3A_30 = arith.muli %add3A_28, %mul3A_29 : i32
      %add3A_31 = arith.addi %mul3A_2, %mul3A_30 : i32
      %dma_start3A_32 = tpu.memref_slice %arg2[%add3A_31] : memref<327680xi32, #tpu.memory_space<hbm>> -> memref<128xi32, #tpu.memory_space<hbm>>
      %dma_start3A_33 = tpu.memref_slice %arg2[%add3A_31] : memref<327680xi32, #tpu.memory_space<hbm>> -> memref<128xi32, #tpu.memory_space<hbm>>
      tpu.enqueue_dma source(%dma_start3A_33 : memref<128xi32, #tpu.memory_space<hbm>>) target(%arg7 : memref<128xi32, #tpu.memory_space<vmem>>) target_semaphore(%arg11 : memref<!tpu.dma_semaphore, #tpu.memory_space<semaphore_mem>>)
      %dma_wait3A = tpu.memref_slice %arg2[%add3A_25] : memref<327680xi32, #tpu.memory_space<hbm>> -> memref<128xi32, #tpu.memory_space<hbm>>
      %dma_wait3A_34 = tpu.memref_slice %arg2[%add3A_25] : memref<327680xi32, #tpu.memory_space<hbm>> -> memref<128xi32, #tpu.memory_space<hbm>>
      tpu.wait_dma2 semaphore(%arg10 : memref<!tpu.dma_semaphore, #tpu.memory_space<semaphore_mem>>) src(%dma_wait3A_34 : memref<128xi32, #tpu.memory_space<hbm>>) dst(%arg6 : memref<128xi32, #tpu.memory_space<vmem>>)
      "tpu.region"() ({
        %run_scoped3A = tpu.sem_alloc : memref<!tpu.dma_semaphore, #tpu.memory_space<semaphore_mem>>
        %dma_start3A_37 = arith.constant 0 : i32
        %dma_start3A_38 = arith.constant 0 : i32
        %dma_start3A_39 = tpu.memref_slice %arg9[%dma_start3A_37, %dma_start3A_38] : memref<10112x128xf32, #tpu.memory_space<vmem_shared>> -> memref<10112x128xf32, #tpu.memory_space<vmem_shared>>
        tpu.enqueue_indirect_dma source(%arg8 : memref<128x128xf32, #tpu.memory_space<vmem>>) target(%dma_start3A_39 : memref<10112x128xf32, #tpu.memory_space<vmem_shared>>) offsets(%arg6 : memref<128xi32, #tpu.memory_space<vmem>>) semaphore(%run_scoped3A : memref<!tpu.dma_semaphore, #tpu.memory_space<semaphore_mem>>) {add = true}
        %dma_wait3A_40 = arith.constant 0 : i32
        %dma_wait3A_41 = arith.constant 0 : i32
        %dma_wait3A_42 = tpu.memref_slice %arg9[%dma_wait3A_40, %dma_wait3A_41] : memref<10112x128xf32, #tpu.memory_space<vmem_shared>> -> memref<10112x128xf32, #tpu.memory_space<vmem_shared>>
        tpu.wait_indirect_dma semaphore(%run_scoped3A : memref<!tpu.dma_semaphore, #tpu.memory_space<semaphore_mem>>) src(%arg8 : memref<128x128xf32, #tpu.memory_space<vmem>>) dst(%dma_wait3A_42 : memref<10112x128xf32, #tpu.memory_space<vmem_shared>>)
        tpu.yield
      }) : () -> ()
      %dma_wait3A_35 = tpu.memref_slice %arg2[%add3A_31] : memref<327680xi32, #tpu.memory_space<hbm>> -> memref<128xi32, #tpu.memory_space<hbm>>
      %dma_wait3A_36 = tpu.memref_slice %arg2[%add3A_31] : memref<327680xi32, #tpu.memory_space<hbm>> -> memref<128xi32, #tpu.memory_space<hbm>>
      tpu.wait_dma2 semaphore(%arg11 : memref<!tpu.dma_semaphore, #tpu.memory_space<semaphore_mem>>) src(%dma_wait3A_36 : memref<128xi32, #tpu.memory_space<hbm>>) dst(%arg7 : memref<128xi32, #tpu.memory_space<vmem>>)
      "tpu.region"() ({
        %run_scoped3A = tpu.sem_alloc : memref<!tpu.dma_semaphore, #tpu.memory_space<semaphore_mem>>
        %dma_start3A_37 = arith.constant 0 : i32
        %dma_start3A_38 = arith.constant 0 : i32
        %dma_start3A_39 = tpu.memref_slice %arg9[%dma_start3A_37, %dma_start3A_38] : memref<10112x128xf32, #tpu.memory_space<vmem_shared>> -> memref<10112x128xf32, #tpu.memory_space<vmem_shared>>
        tpu.enqueue_indirect_dma source(%arg8 : memref<128x128xf32, #tpu.memory_space<vmem>>) target(%dma_start3A_39 : memref<10112x128xf32, #tpu.memory_space<vmem_shared>>) offsets(%arg7 : memref<128xi32, #tpu.memory_space<vmem>>) semaphore(%run_scoped3A : memref<!tpu.dma_semaphore, #tpu.memory_space<semaphore_mem>>) {add = true}
        %dma_wait3A_40 = arith.constant 0 : i32
        %dma_wait3A_41 = arith.constant 0 : i32
        %dma_wait3A_42 = tpu.memref_slice %arg9[%dma_wait3A_40, %dma_wait3A_41] : memref<10112x128xf32, #tpu.memory_space<vmem_shared>> -> memref<10112x128xf32, #tpu.memory_space<vmem_shared>>
        tpu.wait_indirect_dma semaphore(%run_scoped3A : memref<!tpu.dma_semaphore, #tpu.memory_space<semaphore_mem>>) src(%arg8 : memref<128x128xf32, #tpu.memory_space<vmem>>) dst(%dma_wait3A_42 : memref<10112x128xf32, #tpu.memory_space<vmem_shared>>)
        tpu.yield
      }) : () -> ()
    }
    %scan3A_10 = arith.constant 40 : i32
    %barrier3A_11 = arith.constant 0 : index
    tpu.barrier barrier_id(%barrier3A_11)
    %mul3A_12 = arith.constant 624 : i32
    %mul3A_13 = arith.muli %arg1, %mul3A_12 : i32
    %mul3A_14 = arith.constant 624 : i32
    %mul3A_15 = arith.muli %arg1, %mul3A_14 : i32
    "tpu.region"() ({
      %run_scoped3A = tpu.sem_alloc : memref<!tpu.dma_semaphore, #tpu.memory_space<semaphore_mem>>
      %dma_start3A = arith.constant 0 : i32
      %dma_start3A_18 = tpu.memref_slice %arg5[%arg0, %mul3A_15, %dma_start3A] : memref<2x10000x128xf32, #tpu.memory_space<hbm>> -> memref<1x624x128xf32, #tpu.memory_space<hbm>>
      %dma_start3A_19 = tpu.memref_squeeze %dma_start3A_18 : memref<1x624x128xf32, #tpu.memory_space<hbm>> -> memref<624x128xf32, #tpu.memory_space<hbm>>
      %dma_start3A_20 = arith.constant 0 : i32
      %dma_start3A_21 = tpu.memref_slice %arg9[%mul3A_13, %dma_start3A_20] : memref<10112x128xf32, #tpu.memory_space<vmem_shared>> -> memref<624x128xf32, #tpu.memory_space<vmem_shared>>
      tpu.enqueue_dma source(%dma_start3A_21 : memref<624x128xf32, #tpu.memory_space<vmem_shared>>) target(%dma_start3A_19 : memref<624x128xf32, #tpu.memory_space<hbm>>) target_semaphore(%run_scoped3A : memref<!tpu.dma_semaphore, #tpu.memory_space<semaphore_mem>>)
      %dma_wait3A = arith.constant 0 : i32
      %dma_wait3A_22 = tpu.memref_slice %arg5[%arg0, %mul3A_15, %dma_wait3A] : memref<2x10000x128xf32, #tpu.memory_space<hbm>> -> memref<1x624x128xf32, #tpu.memory_space<hbm>>
      %dma_wait3A_23 = tpu.memref_squeeze %dma_wait3A_22 : memref<1x624x128xf32, #tpu.memory_space<hbm>> -> memref<624x128xf32, #tpu.memory_space<hbm>>
      %dma_wait3A_24 = arith.constant 0 : i32
      %dma_wait3A_25 = tpu.memref_slice %arg9[%mul3A_13, %dma_wait3A_24] : memref<10112x128xf32, #tpu.memory_space<vmem_shared>> -> memref<624x128xf32, #tpu.memory_space<vmem_shared>>
      tpu.wait_dma2 semaphore(%run_scoped3A : memref<!tpu.dma_semaphore, #tpu.memory_space<semaphore_mem>>) src(%dma_wait3A_25 : memref<624x128xf32, #tpu.memory_space<vmem_shared>>) dst(%dma_wait3A_23 : memref<624x128xf32, #tpu.memory_space<hbm>>)
      tpu.yield
    }) : () -> ()
    %eq3A = arith.constant 0 : i32
    %eq3A_16 = arith.cmpi eq, %arg1, %eq3A : i32
    %convert_element_type3A = arith.extui %eq3A_16 : i1 to i32
    %cond3A = arith.constant 0 : i32
    %cond3A_17 = arith.cmpi ne, %convert_element_type3A, %cond3A : i32
    scf.if %cond3A_17 {
      "tpu.region"() ({
        %run_scoped3A = tpu.sem_alloc : memref<!tpu.dma_semaphore, #tpu.memory_space<semaphore_mem>>
        %dma_start3A = arith.constant 9984 : i32
        %dma_start3A_18 = arith.constant 0 : i32
        %dma_start3A_19 = tpu.memref_slice %arg5[%arg0, %dma_start3A, %dma_start3A_18] : memref<2x10000x128xf32, #tpu.memory_space<hbm>> -> memref<1x16x128xf32, #tpu.memory_space<hbm>>
        %dma_start3A_20 = tpu.memref_squeeze %dma_start3A_19 : memref<1x16x128xf32, #tpu.memory_space<hbm>> -> memref<16x128xf32, #tpu.memory_space<hbm>>
        %dma_start3A_21 = arith.constant 9984 : i32
        %dma_start3A_22 = arith.constant 0 : i32
        %dma_start3A_23 = tpu.memref_slice %arg9[%dma_start3A_21, %dma_start3A_22] : memref<10112x128xf32, #tpu.memory_space<vmem_shared>> -> memref<16x128xf32, #tpu.memory_space<vmem_shared>>
        tpu.enqueue_dma source(%dma_start3A_23 : memref<16x128xf32, #tpu.memory_space<vmem_shared>>) target(%dma_start3A_20 : memref<16x128xf32, #tpu.memory_space<hbm>>) target_semaphore(%run_scoped3A : memref<!tpu.dma_semaphore, #tpu.memory_space<semaphore_mem>>)
        %dma_wait3A = arith.constant 9984 : i32
        %dma_wait3A_24 = arith.constant 0 : i32
        %dma_wait3A_25 = tpu.memref_slice %arg5[%arg0, %dma_wait3A, %dma_wait3A_24] : memref<2x10000x128xf32, #tpu.memory_space<hbm>> -> memref<1x16x128xf32, #tpu.memory_space<hbm>>
        %dma_wait3A_26 = tpu.memref_squeeze %dma_wait3A_25 : memref<1x16x128xf32, #tpu.memory_space<hbm>> -> memref<16x128xf32, #tpu.memory_space<hbm>>
        %dma_wait3A_27 = arith.constant 9984 : i32
        %dma_wait3A_28 = arith.constant 0 : i32
        %dma_wait3A_29 = tpu.memref_slice %arg9[%dma_wait3A_27, %dma_wait3A_28] : memref<10112x128xf32, #tpu.memory_space<vmem_shared>> -> memref<16x128xf32, #tpu.memory_space<vmem_shared>>
        tpu.wait_dma2 semaphore(%run_scoped3A : memref<!tpu.dma_semaphore, #tpu.memory_space<semaphore_mem>>) src(%dma_wait3A_29 : memref<16x128xf32, #tpu.memory_space<vmem_shared>>) dst(%dma_wait3A_26 : memref<16x128xf32, #tpu.memory_space<hbm>>)
        tpu.yield
      }) : () -> ()
    } else {
    }
    return
  }
}

module attributes {stable_mosaic.version = 14 : i64} {
  func.func @_dense1_body(%arg0: i32, %arg1: memref<2x1000x128xf32, #tpu.memory_space<vmem>>, %arg2: memref<2x1000x128xf32, #tpu.memory_space<vmem>>, %arg3: memref<1000x128xf32, #tpu.memory_space<vmem>>, %arg4: memref<128x128xf32, #tpu.memory_space<vmem>>, %arg5: memref<1x128xf32, #tpu.memory_space<vmem>>, %arg6: memref<128x128xf32, #tpu.memory_space<vmem>>, %arg7: memref<1000x128xf32, #tpu.memory_space<vmem>>) attributes {dimension_semantics = [#tpu.dimension_semantics<arbitrary>], iteration_bounds = array<i64: 10>, scalar_prefetch = 0 : i64, scratch_operands = 0 : i64, tpu.core_type = #tpu.core_type<tc>, window_params = [{transform_indices = @transform_0, window_bounds = array<i64: 2, 1000, 128>}, {transform_indices = @transform_1, window_bounds = array<i64: 2, 1000, 128>}, {transform_indices = @transform_2, window_bounds = array<i64: 1000, 128>}, {pipeline_mode = #tpu.pipeline_mode<synchronous>, transform_indices = @transform_3, window_bounds = array<i64: 128, 128>}, {pipeline_mode = #tpu.pipeline_mode<synchronous>, transform_indices = @transform_4, window_bounds = array<i64: 1, 128>}, {pipeline_mode = #tpu.pipeline_mode<synchronous>, transform_indices = @transform_5, window_bounds = array<i64: 128, 128>}, {transform_indices = @transform_6, window_bounds = array<i64: 1000, 128>}]} {
    %get3A = arith.constant 0 : index
    %get3A_0 = arith.constant 0 : index
    %get3A_1 = arith.constant 0 : index
    %get3A_2 = vector.load %arg1[%get3A, %get3A_0, %get3A_1] : memref<2x1000x128xf32, #tpu.memory_space<vmem>>, vector<1x1000x128xf32>
    %get3A_3 = vector.shape_cast %get3A_2 : vector<1x1000x128xf32> to vector<1000x128xf32>
    %get3A_4 = arith.constant 1 : index
    %get3A_5 = arith.constant 0 : index
    %get3A_6 = arith.constant 0 : index
    %get3A_7 = vector.load %arg1[%get3A_4, %get3A_5, %get3A_6] : memref<2x1000x128xf32, #tpu.memory_space<vmem>>, vector<1x1000x128xf32>
    %get3A_8 = vector.shape_cast %get3A_7 : vector<1x1000x128xf32> to vector<1000x128xf32>
    %add3A = arith.addf %get3A_3, %get3A_8 : vector<1000x128xf32>
    %get3A_9 = arith.constant 0 : index
    %get3A_10 = arith.constant 0 : index
    %get3A_11 = arith.constant 0 : index
    %get3A_12 = vector.load %arg2[%get3A_9, %get3A_10, %get3A_11] : memref<2x1000x128xf32, #tpu.memory_space<vmem>>, vector<1x1000x1xf32>
    %get3A_13 = vector.shape_cast %get3A_12 : vector<1x1000x1xf32> to vector<1000x1xf32>
    %get3A_14 = arith.constant 1 : index
    %get3A_15 = arith.constant 0 : index
    %get3A_16 = arith.constant 0 : index
    %get3A_17 = vector.load %arg2[%get3A_14, %get3A_15, %get3A_16] : memref<2x1000x128xf32, #tpu.memory_space<vmem>>, vector<1x1000x1xf32>
    %get3A_18 = vector.shape_cast %get3A_17 : vector<1x1000x1xf32> to vector<1000x1xf32>
    %add3A_19 = arith.addf %get3A_13, %get3A_18 : vector<1000x1xf32>
    %max3A = arith.constant 1.000000e+00 : f32
    %max3A_20 = vector.broadcast %max3A : f32 to vector<1000x1xf32>
    %max3A_21 = arith.maximumf %add3A_19, %max3A_20 : vector<1000x1xf32>
    %div3A = vector.broadcast %max3A_21 : vector<1000x1xf32> to vector<1000x128xf32>
    %div3A_22 = arith.divf %add3A, %div3A : vector<1000x128xf32>
    %get3A_23 = arith.constant 0 : index
    %get3A_24 = arith.constant 0 : index
    %get3A_25 = vector.load %arg4[%get3A_23, %get3A_24] : memref<128x128xf32, #tpu.memory_space<vmem>>, vector<128x128xf32>
    %dot_general3A = arith.constant dense<0.000000e+00> : vector<1000x128xf32>
    %dot_general3A_26 = tpu.matmul %div3A_22, %get3A_25, %dot_general3A {dimension_numbers = #tpu.dot_dimension_numbers<[1], [0], [0], [1], [0, 0, 1, 1], [], []>, precision = #tpu.contract_precision<fp32>, transpose_lhs_hint = false} : vector<1000x128xf32>, vector<128x128xf32>, vector<1000x128xf32> -> vector<1000x128xf32>
    %get3A_27 = arith.constant 0 : index
    %get3A_28 = arith.constant 0 : index
    %get3A_29 = vector.load %arg5[%get3A_27, %get3A_28] : memref<1x128xf32, #tpu.memory_space<vmem>>, vector<1x128xf32>
    %add3A_30 = vector.broadcast %get3A_29 : vector<1x128xf32> to vector<1000x128xf32>
    %add3A_31 = arith.addf %dot_general3A_26, %add3A_30 : vector<1000x128xf32>
    %get3A_32 = arith.constant 0 : index
    %get3A_33 = arith.constant 0 : index
    %get3A_34 = vector.load %arg3[%get3A_32, %get3A_33] : memref<1000x128xf32, #tpu.memory_space<vmem>>, vector<1000x128xf32>
    %get3A_35 = arith.constant 0 : index
    %get3A_36 = arith.constant 0 : index
    %get3A_37 = vector.load %arg6[%get3A_35, %get3A_36] : memref<128x128xf32, #tpu.memory_space<vmem>>, vector<128x128xf32>
    %dot_general3A_38 = arith.constant dense<0.000000e+00> : vector<1000x128xf32>
    %dot_general3A_39 = tpu.matmul %get3A_34, %get3A_37, %dot_general3A_38 {dimension_numbers = #tpu.dot_dimension_numbers<[1], [0], [0], [1], [0, 0, 1, 1], [], []>, precision = #tpu.contract_precision<fp32>, transpose_lhs_hint = false} : vector<1000x128xf32>, vector<128x128xf32>, vector<1000x128xf32> -> vector<1000x128xf32>
    %add3A_40 = arith.addf %add3A_31, %dot_general3A_39 : vector<1000x128xf32>
    %max3A_41 = arith.constant 0.000000e+00 : f32
    %max3A_42 = vector.broadcast %max3A_41 : f32 to vector<1000x128xf32>
    %max3A_43 = arith.maximumf %add3A_40, %max3A_42 : vector<1000x128xf32>
    %swap3A = arith.constant 0 : index
    %swap3A_44 = arith.constant 0 : index
    %swap3A_45 = vector.load %arg7[%swap3A, %swap3A_44] : memref<1000x128xf32, #tpu.memory_space<vmem>>, vector<1000x128xf32>
    tpu.vector_store %arg7[%swap3A, %swap3A_44], %max3A_43 {strides = array<i32>} : memref<1000x128xf32, #tpu.memory_space<vmem>>, vector<1000x128xf32>,
    return
  }
  func.func @transform_0(%arg0: i32) -> (i32, i32, i32) {
    %c0_i32 = arith.constant 0 : i32
    %c0_i32_0 = arith.constant 0 : i32
    %c0_i32_1 = arith.constant 0 : i32
    return %c0_i32, %arg0, %c0_i32_0 : i32, i32, i32
  }
  func.func @transform_1(%arg0: i32) -> (i32, i32, i32) {
    %c0_i32 = arith.constant 0 : i32
    %c0_i32_0 = arith.constant 0 : i32
    %c0_i32_1 = arith.constant 0 : i32
    return %c0_i32, %arg0, %c0_i32_0 : i32, i32, i32
  }
  func.func @transform_2(%arg0: i32) -> (i32, i32) {
    %c0_i32 = arith.constant 0 : i32
    %c0_i32_0 = arith.constant 0 : i32
    return %arg0, %c0_i32 : i32, i32
  }
  func.func @transform_3(%arg0: i32) -> (i32, i32) {
    %c0_i32 = arith.constant 0 : i32
    %c0_i32_0 = arith.constant 0 : i32
    %c0_i32_1 = arith.constant 0 : i32
    return %c0_i32, %c0_i32_0 : i32, i32
  }
  func.func @transform_4(%arg0: i32) -> (i32, i32) {
    %c0_i32 = arith.constant 0 : i32
    %c0_i32_0 = arith.constant 0 : i32
    %c0_i32_1 = arith.constant 0 : i32
    return %c0_i32, %c0_i32_0 : i32, i32
  }
  func.func @transform_5(%arg0: i32) -> (i32, i32) {
    %c0_i32 = arith.constant 0 : i32
    %c0_i32_0 = arith.constant 0 : i32
    %c0_i32_1 = arith.constant 0 : i32
    return %c0_i32, %c0_i32_0 : i32, i32
  }
  func.func @transform_6(%arg0: i32) -> (i32, i32) {
    %c0_i32 = arith.constant 0 : i32
    %c0_i32_0 = arith.constant 0 : i32
    return %arg0, %c0_i32 : i32, i32
  }
}

module attributes {stable_mosaic.version = 14 : i64} {
  func.func @_dense2_body(%arg0: i32, %arg1: memref<2x1000x128xf32, #tpu.memory_space<vmem>>, %arg2: memref<2x1000x128xf32, #tpu.memory_space<vmem>>, %arg3: memref<1000x128xf32, #tpu.memory_space<vmem>>, %arg4: memref<1000x128xf32, #tpu.memory_space<vmem>>, %arg5: memref<128x128xf32, #tpu.memory_space<vmem>>, %arg6: memref<1x128xf32, #tpu.memory_space<vmem>>, %arg7: memref<128x128xf32, #tpu.memory_space<vmem>>, %arg8: memref<128x128xf32, #tpu.memory_space<vmem>>, %arg9: memref<1x128xf32, #tpu.memory_space<vmem>>, %arg10: memref<1000x128xf32, #tpu.memory_space<vmem>>) attributes {dimension_semantics = [#tpu.dimension_semantics<arbitrary>], iteration_bounds = array<i64: 10>, scalar_prefetch = 0 : i64, scratch_operands = 0 : i64, tpu.core_type = #tpu.core_type<tc>, window_params = [{transform_indices = @transform_0, window_bounds = array<i64: 2, 1000, 128>}, {transform_indices = @transform_1, window_bounds = array<i64: 2, 1000, 128>}, {transform_indices = @transform_2, window_bounds = array<i64: 1000, 128>}, {transform_indices = @transform_3, window_bounds = array<i64: 1000, 128>}, {pipeline_mode = #tpu.pipeline_mode<synchronous>, transform_indices = @transform_4, window_bounds = array<i64: 128, 128>}, {pipeline_mode = #tpu.pipeline_mode<synchronous>, transform_indices = @transform_5, window_bounds = array<i64: 1, 128>}, {pipeline_mode = #tpu.pipeline_mode<synchronous>, transform_indices = @transform_6, window_bounds = array<i64: 128, 128>}, {pipeline_mode = #tpu.pipeline_mode<synchronous>, transform_indices = @transform_7, window_bounds = array<i64: 128, 128>}, {pipeline_mode = #tpu.pipeline_mode<synchronous>, transform_indices = @transform_8, window_bounds = array<i64: 1, 128>}, {transform_indices = @transform_9, window_bounds = array<i64: 1000, 128>}]} {
    %get3A = arith.constant 0 : index
    %get3A_0 = arith.constant 0 : index
    %get3A_1 = arith.constant 0 : index
    %get3A_2 = vector.load %arg1[%get3A, %get3A_0, %get3A_1] : memref<2x1000x128xf32, #tpu.memory_space<vmem>>, vector<1x1000x128xf32>
    %get3A_3 = vector.shape_cast %get3A_2 : vector<1x1000x128xf32> to vector<1000x128xf32>
    %get3A_4 = arith.constant 1 : index
    %get3A_5 = arith.constant 0 : index
    %get3A_6 = arith.constant 0 : index
    %get3A_7 = vector.load %arg1[%get3A_4, %get3A_5, %get3A_6] : memref<2x1000x128xf32, #tpu.memory_space<vmem>>, vector<1x1000x128xf32>
    %get3A_8 = vector.shape_cast %get3A_7 : vector<1x1000x128xf32> to vector<1000x128xf32>
    %add3A = arith.addf %get3A_3, %get3A_8 : vector<1000x128xf32>
    %get3A_9 = arith.constant 0 : index
    %get3A_10 = arith.constant 0 : index
    %get3A_11 = arith.constant 0 : index
    %get3A_12 = vector.load %arg2[%get3A_9, %get3A_10, %get3A_11] : memref<2x1000x128xf32, #tpu.memory_space<vmem>>, vector<1x1000x1xf32>
    %get3A_13 = vector.shape_cast %get3A_12 : vector<1x1000x1xf32> to vector<1000x1xf32>
    %get3A_14 = arith.constant 1 : index
    %get3A_15 = arith.constant 0 : index
    %get3A_16 = arith.constant 0 : index
    %get3A_17 = vector.load %arg2[%get3A_14, %get3A_15, %get3A_16] : memref<2x1000x128xf32, #tpu.memory_space<vmem>>, vector<1x1000x1xf32>
    %get3A_18 = vector.shape_cast %get3A_17 : vector<1x1000x1xf32> to vector<1000x1xf32>
    %add3A_19 = arith.addf %get3A_13, %get3A_18 : vector<1000x1xf32>
    %max3A = arith.constant 1.000000e+00 : f32
    %max3A_20 = vector.broadcast %max3A : f32 to vector<1000x1xf32>
    %max3A_21 = arith.maximumf %add3A_19, %max3A_20 : vector<1000x1xf32>
    %div3A = vector.broadcast %max3A_21 : vector<1000x1xf32> to vector<1000x128xf32>
    %div3A_22 = arith.divf %add3A, %div3A : vector<1000x128xf32>
    %get3A_23 = arith.constant 0 : index
    %get3A_24 = arith.constant 0 : index
    %get3A_25 = vector.load %arg5[%get3A_23, %get3A_24] : memref<128x128xf32, #tpu.memory_space<vmem>>, vector<128x128xf32>
    %dot_general3A = arith.constant dense<0.000000e+00> : vector<1000x128xf32>
    %dot_general3A_26 = tpu.matmul %div3A_22, %get3A_25, %dot_general3A {dimension_numbers = #tpu.dot_dimension_numbers<[1], [0], [0], [1], [0, 0, 1, 1], [], []>, precision = #tpu.contract_precision<fp32>, transpose_lhs_hint = false} : vector<1000x128xf32>, vector<128x128xf32>, vector<1000x128xf32> -> vector<1000x128xf32>
    %get3A_27 = arith.constant 0 : index
    %get3A_28 = arith.constant 0 : index
    %get3A_29 = vector.load %arg6[%get3A_27, %get3A_28] : memref<1x128xf32, #tpu.memory_space<vmem>>, vector<1x128xf32>
    %add3A_30 = vector.broadcast %get3A_29 : vector<1x128xf32> to vector<1000x128xf32>
    %add3A_31 = arith.addf %dot_general3A_26, %add3A_30 : vector<1000x128xf32>
    %get3A_32 = arith.constant 0 : index
    %get3A_33 = arith.constant 0 : index
    %get3A_34 = vector.load %arg3[%get3A_32, %get3A_33] : memref<1000x128xf32, #tpu.memory_space<vmem>>, vector<1000x128xf32>
    %get3A_35 = arith.constant 0 : index
    %get3A_36 = arith.constant 0 : index
    %get3A_37 = vector.load %arg7[%get3A_35, %get3A_36] : memref<128x128xf32, #tpu.memory_space<vmem>>, vector<128x128xf32>
    %dot_general3A_38 = arith.constant dense<0.000000e+00> : vector<1000x128xf32>
    %dot_general3A_39 = tpu.matmul %get3A_34, %get3A_37, %dot_general3A_38 {dimension_numbers = #tpu.dot_dimension_numbers<[1], [0], [0], [1], [0, 0, 1, 1], [], []>, precision = #tpu.contract_precision<fp32>, transpose_lhs_hint = false} : vector<1000x128xf32>, vector<128x128xf32>, vector<1000x128xf32> -> vector<1000x128xf32>
    %add3A_40 = arith.addf %add3A_31, %dot_general3A_39 : vector<1000x128xf32>
    %max3A_41 = arith.constant 0.000000e+00 : f32
    %max3A_42 = vector.broadcast %max3A_41 : f32 to vector<1000x128xf32>
    %max3A_43 = arith.maximumf %add3A_40, %max3A_42 : vector<1000x128xf32>
    %get3A_44 = arith.constant 0 : index
    %get3A_45 = arith.constant 0 : index
    %get3A_46 = vector.load %arg4[%get3A_44, %get3A_45] : memref<1000x128xf32, #tpu.memory_space<vmem>>, vector<1000x128xf32>
    %get3A_47 = arith.constant 0 : index
    %get3A_48 = arith.constant 0 : index
    %get3A_49 = vector.load %arg8[%get3A_47, %get3A_48] : memref<128x128xf32, #tpu.memory_space<vmem>>, vector<128x128xf32>
    %dot_general3A_50 = arith.constant dense<0.000000e+00> : vector<1000x128xf32>
    %dot_general3A_51 = tpu.matmul %max3A_43, %get3A_49, %dot_general3A_50 {dimension_numbers = #tpu.dot_dimension_numbers<[1], [0], [0], [1], [0, 0, 1, 1], [], []>, precision = #tpu.contract_precision<fp32>, transpose_lhs_hint = false} : vector<1000x128xf32>, vector<128x128xf32>, vector<1000x128xf32> -> vector<1000x128xf32>
    %add3A_52 = arith.addf %get3A_46, %dot_general3A_51 : vector<1000x128xf32>
    %get3A_53 = arith.constant 0 : index
    %get3A_54 = arith.constant 0 : index
    %get3A_55 = vector.load %arg9[%get3A_53, %get3A_54] : memref<1x128xf32, #tpu.memory_space<vmem>>, vector<1x128xf32>
    %add3A_56 = vector.broadcast %get3A_55 : vector<1x128xf32> to vector<1000x128xf32>
    %add3A_57 = arith.addf %add3A_52, %add3A_56 : vector<1000x128xf32>
    %max3A_58 = arith.constant 0.000000e+00 : f32
    %max3A_59 = vector.broadcast %max3A_58 : f32 to vector<1000x128xf32>
    %max3A_60 = arith.maximumf %add3A_57, %max3A_59 : vector<1000x128xf32>
    %swap3A = arith.constant 0 : index
    %swap3A_61 = arith.constant 0 : index
    %swap3A_62 = vector.load %arg10[%swap3A, %swap3A_61] : memref<1000x128xf32, #tpu.memory_space<vmem>>, vector<1000x128xf32>
    tpu.vector_store %arg10[%swap3A, %swap3A_61], %max3A_60 {strides = array<i32>} : memref<1000x128xf32, #tpu.memory_space<vmem>>, vector<1000x128xf32>,
    return
  }
  func.func @transform_0(%arg0: i32) -> (i32, i32, i32) {
    %c0_i32 = arith.constant 0 : i32
    %c0_i32_0 = arith.constant 0 : i32
    %c0_i32_1 = arith.constant 0 : i32
    return %c0_i32, %arg0, %c0_i32_0 : i32, i32, i32
  }
  func.func @transform_1(%arg0: i32) -> (i32, i32, i32) {
    %c0_i32 = arith.constant 0 : i32
    %c0_i32_0 = arith.constant 0 : i32
    %c0_i32_1 = arith.constant 0 : i32
    return %c0_i32, %arg0, %c0_i32_0 : i32, i32, i32
  }
  func.func @transform_2(%arg0: i32) -> (i32, i32) {
    %c0_i32 = arith.constant 0 : i32
    %c0_i32_0 = arith.constant 0 : i32
    return %arg0, %c0_i32 : i32, i32
  }
  func.func @transform_3(%arg0: i32) -> (i32, i32) {
    %c0_i32 = arith.constant 0 : i32
    %c0_i32_0 = arith.constant 0 : i32
    return %arg0, %c0_i32 : i32, i32
  }
  func.func @transform_4(%arg0: i32) -> (i32, i32) {
    %c0_i32 = arith.constant 0 : i32
    %c0_i32_0 = arith.constant 0 : i32
    %c0_i32_1 = arith.constant 0 : i32
    return %c0_i32, %c0_i32_0 : i32, i32
  }
  func.func @transform_5(%arg0: i32) -> (i32, i32) {
    %c0_i32 = arith.constant 0 : i32
    %c0_i32_0 = arith.constant 0 : i32
    %c0_i32_1 = arith.constant 0 : i32
    return %c0_i32, %c0_i32_0 : i32, i32
  }
  func.func @transform_6(%arg0: i32) -> (i32, i32) {
    %c0_i32 = arith.constant 0 : i32
    %c0_i32_0 = arith.constant 0 : i32
    %c0_i32_1 = arith.constant 0 : i32
    return %c0_i32, %c0_i32_0 : i32, i32
  }
  func.func @transform_7(%arg0: i32) -> (i32, i32) {
    %c0_i32 = arith.constant 0 : i32
    %c0_i32_0 = arith.constant 0 : i32
    %c0_i32_1 = arith.constant 0 : i32
    return %c0_i32, %c0_i32_0 : i32, i32
  }
  func.func @transform_8(%arg0: i32) -> (i32, i32) {
    %c0_i32 = arith.constant 0 : i32
    %c0_i32_0 = arith.constant 0 : i32
    %c0_i32_1 = arith.constant 0 : i32
    return %c0_i32, %c0_i32_0 : i32, i32
  }
  func.func @transform_9(%arg0: i32) -> (i32, i32) {
    %c0_i32 = arith.constant 0 : i32
    %c0_i32_0 = arith.constant 0 : i32
    return %arg0, %c0_i32 : i32, i32
  }
}

</mosaic_0001>

<sc_bundles>
// kernel: kernel.10.cloned.1.call-start
scs
__scs_entry_jumppad:
0x0: {  	(pc) =	sbr.rel $0x88, $3  }
0x1: {  	(tag) =	ssettag $0x0;
	lr =	simm.s32 $0x1  }
0x2: {  	[smem:$0x3F97] =	sst lr;
	_ =	strace $0xD0000000  }
0x3: {  	_ = 	snop  }
0x4: {  	_ = 	snop  }
0x5: {  	_ = 	snop  }
0x6: {  	_ = 	snop  }
0x7: {  	_ = 	snop  }
__scs_overlays_trampoline_lowered:
0x8: {  	[smem:$0x3FA6] =	sst s0  }
0x9: {  	[smem:$0x3FA7] =	sst s1  }
0xa: {  	[smem:$0x3FA8] =	sst s2  }
0xb: {  	[smem:$0x3FA9] =	sst s3  }
0xc: {  	[smem:$0x3FAA] =	sst s4  }
0xd: {  	[smem:$0x3FAB] =	sst s5  }
0xe: {  	[smem:$0x3FAC] =	sst s6  }
0xf: {  	[smem:$0x3FAD] =	sst s7  }
0x10: {  	[smem:$0x3FAE] =	sst s8  }
0x11: {  	[smem:$0x3FAF] =	sst s9;
	s0 =	simm.s32 @!p0 $0x0  }
0x12: {  	s1 =	sld [smem:$0x3F95];
	s0 =	simm.s32 @p0 $0x1  }
0x13: {  	[smem:$0x3FB0] =	sst s0;
	s0 =	simm.s32 @!p1 $0x0  }
0x14: {  	s2 =	sld [smem:$0x3F94];
	s0 =	simm.s32 @p1 $0x1  }
0x15: {  	[smem:$0x3FB1] =	sst s0;
	s0 =	simm.s32 @!p2 $0x0  }
0x16: {  	s3 =	sld [smem:$0x3FDB];
	s0 =	simm.s32 @p2 $0x1  }
0x17: {  	s4 =	simm.s32 $0x1BF5;
	[smem:$0x3FB3] =	sst s0  }
0x18: {  	s0 =	sld [smem:$0x3F96];
	_ =	swait.ge [sflag:s4], $0x0  }
0x19: {  	s7 =	sld [smem:$0x3F97]  }
0x1a: {  	s8 =	sadd.s32 $0xFFFFE003, lr  }
0x1b: {  	s9 =	sadd.s32 $0xFFFFFEF7, lr;
	s5 =	simm.s32 $0xFFFFFFFF;
	p2 =	slt.u32 s8, $0xFFFFF086  }
0x1c: {  	p1 =	slt.u32 s9, $0xF7A;
	s5 =	simm.s32 @!p2 $0x0  }
0x1d: {  	s5 =	simm.s32 @p1 $0x1;
	p0 =	seq.s32 s7, s2  }
0x1e: {  	s7 =	smul.u32 @!p0 $0xF7A, s2;
	p2 =	seq.s32 @!p0 s5, $0x0  }
0x1f: {  	s9 =	smul.u32 $0xF7A, s1;
	s8 =	simm.s32 @!p0 $0x1BF5;
	p2 =	por !p2, p0  }
0x20: {  	[sflag:s8] =	ssyncset.s32 @!p0 $0xFFFFF086;
	s6 =	sadd.s32 @!p0 s3, s7;
	s7 =	simm.s32 @!p0 $0x108  }
0x21: {  	s3 =	sadd.s32 s3, s9;
	s6 =	sadd.s32 @!p0 $0x88, s6;
	s7 =	simm.s32 @p2 $0x1082  }
0x22: {  	[simem:s7], [sflag:s8] =	dma.local @!p0 [hbm:s6], $0xF7A  }
0x23: {  	s9 =	sor.u32 $0xD0000000, s2;
	s6 =	simm.s32 $0x108;
	_ =	swait.ge @!p0 [sflag:s8], $0x0  }
0x24: {  	s3 =	sadd.s32 $0x88, s3;
	s6 =	simm.s32 @!p1 $0x1082;
	[sflag:s4] =	ssyncset.s32 $0xFFFFF086  }
0x25: {  	[simem:s6], [sflag:s4] =	dma.local [hbm:s3], $0xF7A  }
0x26: {  	[smem:$0x3F97] =	sst s1;
	(tag) =	ssettag s2;
	_ =	strace s9  }
0x27: {  	s1 =	sld [smem:$0x3FA7]  }
0x28: {  	s2 =	sld [smem:$0x3FA8]  }
0x29: {  	s4 =	sld [smem:$0x3FAA]  }
0x2a: {  	p0 =	seq.s32 s5, $0x0;
	s5 =	sld [smem:$0x3FAB]  }
0x2b: {  	s6 =	sld [smem:$0x3FAC]  }
0x2c: {  	s7 =	sld [smem:$0x3FAD]  }
0x2d: {  	s3 =	simm.s32 $0x108;
	s8 =	sld [smem:$0x3FAE]  }
0x2e: {  	s3 =	simm.s32 @!p0 $0x1082;
	s9 =	sld [smem:$0x3FAF]  }
0x2f: {  	lr =	sadd.s32 s0, s3;
	s0 =	sld [smem:$0x3FA6]  }
0x30: {  	s3 =	sld [smem:$0x3FA9]  }
0x31: {  	[smem:$0x3FB2] =	sst s10  }
0x32: {  	s10 =	sld [smem:$0x3FB0];
	_ =	sdelay $0x3  }
0x33: {  	p0 =	seq.s32 s10, $0x1;
	s10 =	sld [smem:$0x3FB2];
	_ =	sdelay $0x3  }
0x34: {  	[smem:$0x3FB2] =	sst s10  }
0x35: {  	s10 =	sld [smem:$0x3FB1];
	_ =	sdelay $0x3  }
0x36: {  	p1 =	seq.s32 s10, $0x1;
	s10 =	sld [smem:$0x3FB2];
	_ =	sdelay $0x3  }
0x37: {  	[smem:$0x3FB2] =	sst s10  }
0x38: {  	s10 =	sld [smem:$0x3FB3]  }
0x39: {  	_ = 	snop;
	(pc) =	sbr.ind lr, $3  }
0x3a: {  	_ = 	snop  }
0x3b: {  	_ = 	snop  }
0x3c: {  	p2 =	seq.s32 s10, $0x1;
	s10 =	sld [smem:$0x3FB2]  }
0x3d: {  	_ =	shalt  }
0x3e: {  	_ =	shalt  }
0x3f: {  	_ =	shalt  }
0x40: {  	_ =	shalt  }
0x41: {  	_ =	shalt  }
0x42: {  	_ =	shalt  }
0x43: {  	_ =	shalt  }
0x44: {  	_ =	shalt  }
0x45: {  	_ =	shalt  }
0x46: {  	_ =	shalt  }
0x47: {  	_ =	shalt  }
0x48: {  	_ =	shalt  }
0x49: {  	_ =	shalt  }
0x4a: {  	_ =	shalt  }
0x4b: {  	_ =	shalt  }
0x4c: {  	_ =	shalt  }
0x4d: {  	_ =	shalt  }
0x4e: {  	_ =	shalt  }
0x4f: {  	_ =	shalt  }
0x50: {  	_ =	shalt  }
0x51: {  	_ =	shalt  }
0x52: {  	_ =	shalt  }
0x53: {  	_ =	shalt  }
0x54: {  	_ =	shalt  }
0x55: {  	_ =	shalt  }
0x56: {  	_ =	shalt  }
0x57: {  	_ =	shalt  }
0x58: {  	_ =	shalt  }
0x59: {  	_ =	shalt  }
0x5a: {  	_ =	shalt  }
0x5b: {  	_ =	shalt  }
0x5c: {  	_ =	shalt  }
0x5d: {  	_ =	shalt  }
0x5e: {  	_ =	shalt  }
0x5f: {  	_ =	shalt  }
0x60: {  	_ =	shalt  }
0x61: {  	_ =	shalt  }
0x62: {  	_ =	shalt  }
0x63: {  	_ =	shalt  }
0x64: {  	_ =	shalt  }
0x65: {  	_ =	shalt  }
0x66: {  	_ =	shalt  }
0x67: {  	_ =	shalt  }
0x68: {  	_ =	shalt  }
0x69: {  	_ =	shalt  }
0x6a: {  	_ =	shalt  }
0x6b: {  	_ =	shalt  }
0x6c: {  	_ =	shalt  }
0x6d: {  	_ =	shalt  }
0x6e: {  	_ =	shalt  }
0x6f: {  	_ =	shalt  }
0x70: {  	_ =	shalt  }
0x71: {  	_ =	shalt  }
0x72: {  	_ =	shalt  }
0x73: {  	_ =	shalt  }
0x74: {  	_ =	shalt  }
0x75: {  	_ =	shalt  }
0x76: {  	_ =	shalt  }
0x77: {  	_ =	shalt  }
0x78: {  	_ =	shalt  }
0x79: {  	_ =	shalt  }
0x7a: {  	_ =	shalt  }
0x7b: {  	_ =	shalt  }
0x7c: {  	_ =	shalt  }
0x7d: {  	_ =	shalt  }
0x7e: {  	_ =	shalt  }
0x7f: {  	_ =	shalt  }
0x80: {  	_ =	shalt  }
0x81: {  	_ =	shalt  }
0x82: {  	_ =	shalt  }
0x83: {  	_ =	shalt  }
0x84: {  	_ =	shalt  }
0x85: {  	_ =	shalt  }
0x86: {  	_ =	shalt  }
0x87: {  	_ =	shalt  }
.Lfunc_end0:
.L_simem_size_0:
called_computation.1_lowered:
.L_overlay_start_0:
0x88: {  	s2 =	sld [smem:$0x3FD9]  }
0x89: {  	s3 =	sld [smem:$0x3FFE];
	_ =	sdelay $0x1  }
0x8a: {  	s1 =	srdreg.scid  }
0x8b: {  	s0 =	sand.u32 $0x1, s1  }
0x8c: {  	s17 =	sshll.u32 s0, $0xA;
	s2 =	sadd.s32 s3, s2  }
0x8d: {  	s2 =	sadd.s32 s2, s17  }
0x8e: {  	[smem:$0x3FBE] =	sst s2  }
0x8f: {  	_ = 	snop  }
0x90: {  	s2 =	sld [smem:$0x3FC9];
	(tm) =	ssettm $0x1  }
0x91: {  	s18 =	sld [smem:$0x3FFB];
	_ =	sdelay $0x3  }
0x92: {  	_ =	strace s18  }
0x93: {  	s3 =	sld [smem:$0x3FFC];
	_ =	sdelay $0x3  }
0x94: {  	_ =	strace s3  }
0x95: {  	s3 =	sld [smem:$0x3FFD];
	_ =	sdelay $0x3  }
0x96: {  	_ =	strace s3  }
0x97: {  	_ =	strace $0x8FFFFFFF  }
0x98: {  	s19 =	sld [smem:$0x3FDB];
	_ =	sdelay $0x1  }
0x99: {  	s4 =	simm.s32 $_scs_section_size  }
0x9a: {  	s5 =	simm.s32 $_size__tile_overlayer_lowered;
	s6 =	simm.s32 $_tile_overlayer_lowered  }
0x9b: {  	s22 =	simm.s32 $0x1BFF;
	s21 =	sshll.u32 s6, $0x1;
	s3 =	sadd.s32 s4, s19  }
0x9c: {  	s7 =	simm.s32 $0x0;
	s20 =	sshll.u32 s5, $0x1;
	s5 =	sadd.s32 s21, s3  }
0x9d: {  	[timem:s7], [sflag:s22] =	dma.local [hbm:s5], s20  }
0x9e: {  	_ =	swait.ge [sflag:s22], s20  }
0x9f: {  	s4 =	ssub.s32 $0x0, s20;
	[sflag:s22] =	ssyncset.done $0x0  }
0xa0: {  	[sflag:s22] =	ssyncadd.s32 s4;
	_ =	sdelay $0x1  }
0xa1: {  	s23 =	simm.s32 $0x1B8B  }
0xa2: {  	_ =	swait.ge [sflag:s23], $0x1  }
0xa3: {  	[sflag:s23] =	ssyncset.done $0x0  }
0xa4: {  	s25 =	simm.s32 $0x1B8E;
	s24 =	sld [smem:$0x3FFE];
	[sflag:s23] =	ssyncadd.s32 $0xFFFFFFFF  }
0xa5: {  	s26 =	simm.s32 $execute0_lowered;
	[smem:$0x3FD2] =	sst s25  }
0xa6: {  	s5 =	sshll.u32 s26, $0x1;
	_ =	strace $0x80000046;
	[dreg:$0x1] =	wrdreg $0xFFFFFFFF  }
0xa7: {  	s28 =	simm.s32 $_size_execute0_lowered;
	s3 =	sadd.s32 s3, s5;
	[dreg:$0x0] =	wrdreg $0x0  }
0xa8: {  	s5 =	sshll.u32 s28, $0x1;
	[dreg:$0x2] =	wrdreg s3  }
0xa9: {  	[dreg:$0x3] =	wrdreg s5  }
0xaa: {  	[dreg:$0x4] =	wrdreg $0xC0  }
0xab: {  	_ =	task [dreg:s7], $0x5FFFF  }
0xac: {  	[dreg:$0x1] =	wrdreg $0xFFFFFFFF  }
0xad: {  	[dreg:$0x0] =	wrdreg $0x60  }
0xae: {  	[dreg:$0x2] =	wrdreg s2  }
0xaf: {  	[dreg:$0x3] =	wrdreg s24  }
0xb0: {  	[dreg:$0x4] =	wrdreg $0xAA000  }
0xb1: {  	[dreg:$0x5] =	wrdreg $0xA  }
0xb2: {  	_ =	task.clear_ibuf [dreg:s7], $0x6FFFF;
	_ =	strace $0x90000046  }
0xb3: {  	s29 =	simm.s32 $0xA;
	_ =	strace $0x80000048  }
0xb4: {  	_ =	swait.ge [sflag:s29], $0x1  }
0xb5: {  	[sflag:s29] =	ssyncadd.s32 $0xFFFFFFFF  }
0xb6: {  	_ =	strace $0x90000048  }
0xb7: {  	_ =	sfence  }
0xb8: {  	s30 =	sld [smem:$0x0];
	_ =	sdelay $0x2  }
0xb9: {  	s31 =	sshll.u32 s1, $0xD;
	s1 =	sshrl.u32 s1, $0x2  }
0xba: {  	s3 =	sand.u32 $0x4000, s31;
	s1 =	sadd.s32 s1, s30  }
0xbb: {  	s0 =	sor.u32 s3, s0;
	s1 =	sshll.u32 s1, $0x11  }
0xbc: {  	s0 =	sor.u32 s1, s0  }
0xbd: {  	s0 =	sadd.s32 $0x8F2B, s0  }
0xbe: {  	[sflag:s0] =	ssyncadd.remote.s32 $0x1  }
0xbf: {  	_ =	sfence.sel $0xFFFF  }
0xc0: {  	[dreg:$0x0] =	wrdreg $0xFFFFFFFF;
	(pc) =	sbr.abs _section_cstart, $3  }
0xc1: {  	[dreg:$0x1] =	wrdreg $0xFFFFFFFF  }
0xc2: {  	_ =	task.clear_ibuf [dreg:s7], $0x2FFFF;
	_ =	strace $0x9FFFFFFF  }
0xc3: {  	(tm) =	ssettm $0x7FFFFFFF  }
tec
execute0_lowered:
.L_overlay_start_1:
0x0: {  	(tag) =	ssettag $0x1  }
0x1: {  	s1 =	rddreg [dreg:$0x0]  }
0x2: {  	s0 =	rddreg [dreg:$0x1]  }
0x3: {  	s2 =	rddreg [dreg:$0x2];
	s3 =	simm.s32 $0x0;
	s4 =	stileid.u32  }
0x4: {  	s7 =	srdreg.scid;
	s28 =	simm.s32 $0x4;
	s6 =	smul.u32 $0x2780, s4  }
0x5: {  	s29 =	simm.s32 $0x8;
	[smem:$0x7FF] =	sst s3;
	s10 =	smul.u32 $0x4F000, s4  }
0x6: {  	s5 =	sadd.s32 $0xC600, s0;
	s8 =	sand.u32 $0x1, s7;
	s19 =	smul.u32 $0x13800, s4  }
0x7: {  	s17 =	sshll.u32 s4, $0x1;
	s18 =	sshll.u32 s4, $0x6;
	s15 =	smul.u32 $0x4E000, s4  }
0x8: {  	s16 =	smul.u32 $0x5000, s4;
	p0 =	sne.s32 s4, $0x0;
	_ =	strace $0x80000047  }
0x9: {  	[dreg:$0x4] =	wrdreg s5;
	s5 =	sadd.s32 $0x2600, s0;
	s14 =	smul.u32 $0x138800, s8  }
0xa: {  	s9 =	ssub.s32 $0x2, s8;
	s7 =	sor.u32 s8, s17;
	s8 =	smul.u32 $0x2800, s8  }
0xb: {  	s6 =	sadd.s32 s6, s0;
	s0 =	sadd.s32 $0x47E00, s0;
	s12 =	smul.u32 $0x2800, s7  }
0xc: {  	s11 =	sshrl.u32 s9, $0x1;
	s10 =	sshrl.u32 s10, $0x2;
	s7 =	smul.u32 $0x5000, s7  }
0xd: {  	s23 =	sshrl.u32 s15, $0x2;
	s15 =	simm.s32 $0x2980;
	s9 =	ssub.s32 s9, s11  }
0xe: {  	s13 =	sadd.s32 s10, s2;
	s6 =	sadd.s32 $0x20600, s6;
	[dreg:$0x6] =	wrdreg s7  }
0xf: {  	s24 =	sadd.s32 s8, s16;
	s8 =	sadd.s32 $0x138000, s2;
	[dreg:$0x7] =	wrdreg s6  }
0x10: {  	s10 =	simm.s32 $0x0;
	s20 =	sor.u32 $0x40, s12;
	[dreg:$0x5] =	wrdreg s12  }
0x11: {  	s7 =	sor.u32 $0x1C09, s18;
	s21 =	sor.u32 $0x80, s12;
	[dreg:$0x9] =	wrdreg s20  }
0x12: {  	s22 =	sor.u32 $0xC0, s12;
	s6 =	sadd.s32 s19, s14;
	[dreg:$0xa] =	wrdreg s21  }
0x13: {  	s14 =	sshrl.u32 s14, $0x3;
	s9 =	smax.u32 s9, $0x1;
	[dreg:$0xb] =	wrdreg s22  }
0x14: {  	s25 =	sor.u32 $0x1C0, s24;
	s26 =	sor.u32 $0x180, s24;
	[dreg:$0xe] =	wrdreg s9  }
0x15: {  	s18 =	sor.u32 $0x140, s24;
	s19 =	sor.u32 $0x100, s24;
	[dreg:$0xf] =	wrdreg s25  }
0x16: {  	s30 =	sshrl.u32 s13, $0x3;
	s24 =	simm.s32 $0x5;
	[dreg:$0x10] =	wrdreg s26  }
0x17: {  	s6 =	sshrl.u32 s6, $0x3;
	[dreg:$0x11] =	wrdreg s30;
	s21 =	simm.s32 $0x9  }
0x18: {  	s22 =	simm.s32 $0x40;
	s26 =	simm.s32 $0x2800;
	s20 =	simm.s32 $0x1  }
0x19: {  	s25 =	simm.s32 $0x3;
	s9 =	simm.s32 $0x7;
	[dreg:$0x8] =	wrdreg s7  }
.Ltmp0:
0x1a: {  	s6 =	sadd.s32 s0, s6;
	s0 =	sadd.s32 s0, s14;
	(pc) =	sbr.rel .LBB2_1-.Ltmp0, $4  }
0x1b: {  	[dreg:$0xc] =	wrdreg s6;
	s6 =	sadd.s32 s23, s2;
	s0 =	sadd.s32 $0x27000, s0  }
0x1c: {  	s14 =	simm.s32 $0x8A00;
	[dreg:$0xd] =	wrdreg s0;
	s31 =	sshrl.u32 s6, $0x3  }
0x1d: {  	s23 =	simm.s32 $0x2A00;
	s0 =	sshrl.u32 @!p0 s8, $0x3;
	[dreg:$0x12] =	wrdreg s31  }
0x1e: {  	s8 =	simm.s32 $0x2900;
	[dreg:$0x13] =	wrdreg s0;
	s0 =	simm.s32 $0x6A00  }
.LBB2_6:
0x1f: {  	[bflag:$0x0] =	sbarrier.arrive $0xFFFF  }
0x20: {  	s7 =	rddreg [dreg:$0x8]  }
0x21: {  	s4 =	rddreg [dreg:$0xc]  }
0x22: {  	s6 =	rddreg [dreg:$0x12]  }
0x23: {  	[hbm:s4], [sflag:s7] =	dma.local [spmem:s6], $0x2700  }
0x24: {  	_ =	swait.ge [sflag:s21], $0x2700  }
0x25: {  	[sflag:s21] =	ssyncset.done $0x0;
	s4 =	rddreg [dreg:$0xd]  }
0x26: {  	s6 =	rddreg [dreg:$0x13];
	[sflag:s21] =	ssyncadd.s32 $0xFFFFD900  }
0x27: {  	[hbm:s4], [sflag:s7] =	dma.local @!p0 [spmem:s6], $0x100  }
0x28: {  	s4 =	simm.s32 @!p0 $0x9  }
0x29: {  	_ =	swait.ge @!p0 [sflag:s4], $0x100  }
0x2a: {  	s10 =	rddreg [dreg:$0x14]  }
0x2b: {  	s31 =	rddreg [dreg:$0xe];
	s10 =	sadd.s32 $0x1, s10  }
0x2c: {  	p1 =	sne.s32 s10, s31  }
.Ltmp1:
0x2d: {  	_ = 	snop;
	(pc) =	sbr.rel @!p1 .LBB2_7-.Ltmp1, $3  }
0x2e: {  	_ =	sdelay $0x1  }
0x2f: {  	[sflag:s4] =	ssyncset.done @!p0 $0x0  }
0x30: {  	[sflag:s4] =	ssyncadd.s32 @!p0 $0xFFFFFF00  }
.LBB2_1:
0x31: {  	[dreg:$0x14] =	wrdreg s10  }
0x32: {  	s4 =	rddreg [dreg:$0x7]  }
0x33: {  	s6 =	rddreg [dreg:$0x11]  }
0x34: {  	[spmem:s6], [sflag:s7] =	dma.local [hbm:s4], $0x2780  }
.Ltmp2:
0x35: {  	_ =	swait.ge [sflag:s21], $0x2780;
	(pc) =	sbr.rel .LBB2_2-.Ltmp2, $4  }
0x36: {  	[sflag:s21] =	ssyncset.done $0x0  }
0x37: {  	[sflag:s21] =	ssyncadd.s32 $0xFFFFD880  }
0x38: {  	[bflag:$0x0] =	sbarrier.arrive $0xFFFF  }
0x39: {  	p2 =	por $0x1, $0x1;
	s4 =	simm.s32 $0x0  }
.LBB2_5:
0x3a: {  	_ =	swait.ge [sflag:s28], $0x2000  }
0x3b: {  	[sflag:s28] =	ssyncset.done $0x0  }
0x3c: {  	[sflag:s28] =	ssyncadd.s32 $0xFFFFE000  }
0x3d: {  	_ =	swait.ge [sflag:s29], $0x40  }
0x3e: {  	[sflag:s29] =	ssyncset.done $0x0  }
.Ltmp3:
0x3f: {  	[sflag:s29] =	ssyncadd.s32 $0xFFFFFFC0;
	(pc) =	sbr.rel @!p1 .LBB2_6-.Ltmp3, $4  }
0x40: {  	[spmem:s2] =	stream.indirect.scatter.add.f32 [tilespmem:s14], [sflag:$0x9], $0x80, s15, s22, $0xb8;
	[tilespmem:$0x1E600] =	vst v63  }
0x41: {  	_ =	swait.ge [sflag:s21], $0x2000  }
0x42: {  	[sflag:s21] =	ssyncset.done $0x0  }
0x43: {  	s4 =	simm.s32 $0x1;
	p2 =	por $0x0, $0x0;
	[sflag:s21] =	ssyncadd.s32 $0xFFFFE000  }
.LBB2_2:
0x44: {  	s6 =	smul.u32 $0x2800, s4  }
0x45: {  	s7 =	rddreg [dreg:$0x6]  }
0x46: {  	s6 =	sadd.s32 s7, s6  }
0x47: {  	s10 =	rddreg [dreg:$0x4];
	s6 =	sshrl.u32 s6, $0x3  }
0x48: {  	s30 =	simm.s32 $0x0;
	s6 =	sadd.s32 s10, s6  }
0x49: {  	[tilespmem:s30], [sflag:$0x9] =	stream.linear.gather [hbm4b:s6+s30], $0x2800, $0x38;
	[tilespmem:$0x1E600] =	vst v63  }
0x4a: {  	s4 =	smul.u32 $0x1400, s4;
	_ =	swait.ge [sflag:s21], $0x2800  }
0x4b: {  	[sflag:s21] =	ssyncset.done $0x0;
	s11 =	rddreg [dreg:$0x5]  }
0x4c: {  	[sflag:s21] =	ssyncadd.s32 $0xFFFFD800;
	s6 =	sadd.s32 s11, s4  }
0x4d: {  	[tilespmem:s23], [sflag:$0x1] =	stream.indirect.gather [hbm4b:s1+s22], $0x80, s30, s22, $0xb8;
	[tilespmem:$0x1E600] =	vst v63  }
0x4e: {  	s6 =	sshrl.u32 s6, $0x3  }
0x4f: {  	s16 =	rddreg [dreg:$0x9];
	s6 =	sadd.s32 s5, s6  }
0x50: {  	[tilespmem:s26], [sflag:$0x5] =	stream.linear.gather [hbm4b:s6+s30], $0x40, $0x38;
	[tilespmem:$0x1E600] =	vst v63  }
0x51: {  	s6 =	sadd.s32 s4, s16  }
0x52: {  	s12 =	simm.s32 $0x80;
	s13 =	simm.s32 $0x4A00;
	s6 =	sshrl.u32 s6, $0x3  }
0x53: {  	[tilespmem:s13], [sflag:$0x2] =	stream.indirect.gather [hbm4b:s1+s22], $0x80, s12, s22, $0xb8;
	[tilespmem:$0x1E600] =	vst v63  }
0x54: {  	s17 =	simm.s32 $0x2880;
	s10 =	rddreg [dreg:$0xa];
	s6 =	sadd.s32 s5, s6  }
0x55: {  	[tilespmem:s17], [sflag:$0x6] =	stream.linear.gather [hbm4b:s6+s30], $0x40, $0x38;
	[tilespmem:$0x1E600] =	vst v63  }
0x56: {  	s6 =	sadd.s32 s4, s10  }
0x57: {  	s7 =	simm.s32 $0x100;
	s6 =	sshrl.u32 s6, $0x3  }
0x58: {  	[tilespmem:s0], [sflag:$0x3] =	stream.indirect.gather [hbm4b:s1+s22], $0x80, s7, s22, $0xb8;
	[tilespmem:$0x1E600] =	vst v63  }
0x59: {  	s12 =	rddreg [dreg:$0xb];
	s6 =	sadd.s32 s5, s6  }
0x5a: {  	[tilespmem:s8], [sflag:$0x7] =	stream.linear.gather [hbm4b:s6+s30], $0x40, $0x38;
	[tilespmem:$0x1E600] =	vst v63  }
0x5b: {  	s6 =	sadd.s32 s4, s12  }
0x5c: {  	s11 =	simm.s32 $0x180;
	s6 =	sshrl.u32 s6, $0x3  }
0x5d: {  	[tilespmem:s14], [sflag:$0x4] =	stream.indirect.gather [hbm4b:s1+s22], $0x80, s11, s22, $0xb8;
	[tilespmem:$0x1E600] =	vst v63  }
0x5e: {  	s13 =	rddreg [dreg:$0xf];
	s6 =	sadd.s32 s5, s6  }
0x5f: {  	[tilespmem:s15], [sflag:$0x8] =	stream.linear.gather [hbm4b:s6+s30], $0x40, $0x38;
	[tilespmem:$0x1E600] =	vst v63  }
0x60: {  	p1 =	por p2, p2;
	s6 =	sadd.s32 s4, s13  }
0x61: {  	s16 =	rddreg [dreg:$0x10];
	s13 =	sadd.s32 s4, s18;
	s6 =	sshrl.u32 s6, $0x3  }
0x62: {  	s31 =	sadd.s32 s6, s5;
	s6 =	sadd.s32 s4, s16;
	s4 =	sadd.s32 s4, s19  }
0x63: {  	s17 =	sshrl.u32 s13, $0x3;
	s6 =	sshrl.u32 s6, $0x3;
	s10 =	sshrl.u32 s4, $0x3  }
0x64: {  	s4 =	sadd.s32 s17, s5;
	s13 =	sadd.s32 s6, s5;
	s6 =	sadd.s32 s10, s5  }
.LBB2_3:
0x65: {  	_ =	swait.ge [sflag:s20], $0x2000  }
0x66: {  	[sflag:s20] =	ssyncset.done $0x0  }
0x67: {  	[sflag:s20] =	ssyncadd.s32 $0xFFFFE000  }
0x68: {  	_ =	swait.ge [sflag:s24], $0x40  }
0x69: {  	[sflag:s24] =	ssyncset.done $0x0  }
0x6a: {  	[sflag:s24] =	ssyncadd.s32 $0xFFFFFFC0  }
0x6b: {  	[spmem:s2] =	stream.indirect.scatter.add.f32 [tilespmem:s23], [sflag:$0x9], $0x80, s26, s22, $0xb8;
	[tilespmem:$0x1E600] =	vst v63  }
0x6c: {  	_ =	swait.ge [sflag:s21], $0x2000  }
0x6d: {  	p2 =	seq.s32 s30, $0x9800;
	[sflag:s21] =	ssyncset.done $0x0  }
0x6e: {  	s7 =	simm.s32 @p2 $0x2;
	[sflag:s21] =	ssyncadd.s32 $0xFFFFE000  }
0x6f: {  	_ =	swait.ge @p2 [sflag:s7], $0x2000  }
0x70: {  	[sflag:s7] =	ssyncset.done @p2 $0x0  }
0x71: {  	[sflag:s7] =	ssyncadd.s32 @p2 $0xFFFFE000;
	s7 =	simm.s32 @p2 $0x6  }
0x72: {  	_ =	swait.ge @p2 [sflag:s7], $0x40  }
0x73: {  	s10 =	simm.s32 @p2 $0x2880;
	[sflag:s7] =	ssyncset.done @p2 $0x0  }
0x74: {  	s11 =	simm.s32 @p2 $0x4A00;
	[sflag:s7] =	ssyncadd.s32 @p2 $0xFFFFFFC0;
	s7 =	simm.s32 @p2 $0x40  }
0x75: {  	[spmem:s2] =	stream.indirect.scatter.add.f32 @p2 [tilespmem:s11], [sflag:$0x9], $0x80, s10, s7, $0xb8;
	[tilespmem:$0x1E600] =	vst v63  }
0x76: {  	s7 =	simm.s32 @p2 $0x9  }
0x77: {  	_ =	swait.ge @p2 [sflag:s7], $0x2000  }
0x78: {  	[sflag:s7] =	ssyncset.done @p2 $0x0  }
0x79: {  	[sflag:s7] =	ssyncadd.s32 @p2 $0xFFFFE000;
	s7 =	sshra.s32 @!p2 s30, $0x2  }
0x7a: {  	s12 =	simm.s32 @!p2 $0x2A00;
	s11 =	simm.s32 @!p2 $0x40;
	s10 =	sadd.s32 @!p2 $0x200, s7  }
0x7b: {  	[tilespmem:s12], [sflag:$0x1] =	stream.indirect.gather @!p2 [hbm4b:s1+s11], $0x80, s10, s11, $0xb8;
	[tilespmem:$0x1E600] =	vst v63  }
0x7c: {  	s10 =	simm.s32 @!p2 $0x0;
	s12 =	simm.s32 @!p2 $0x2800  }
0x7d: {  	[tilespmem:s12], [sflag:$0x5] =	stream.linear.gather @!p2 [hbm4b:s6+s10], $0x40, $0x38;
	[tilespmem:$0x1E600] =	vst v63  }
0x7e: {  	s12 =	simm.s32 @!p2 $0x2  }
0x7f: {  	_ =	swait.ge @!p2 [sflag:s12], $0x2000  }
0x80: {  	[sflag:s12] =	ssyncset.done @!p2 $0x0  }
0x81: {  	[sflag:s12] =	ssyncadd.s32 @!p2 $0xFFFFE000;
	s12 =	simm.s32 @!p2 $0x6  }
0x82: {  	_ =	swait.ge @!p2 [sflag:s12], $0x40  }
0x83: {  	s16 =	simm.s32 @!p2 $0x4A00;
	[sflag:s12] =	ssyncset.done @!p2 $0x0  }
0x84: {  	s17 =	simm.s32 @!p2 $0x9;
	[sflag:s12] =	ssyncadd.s32 @!p2 $0xFFFFFFC0;
	s12 =	simm.s32 @!p2 $0x2880  }
0x85: {  	[spmem:s2] =	stream.indirect.scatter.add.f32 @!p2 [tilespmem:s16], [sflag:$0x9], $0x80, s12, s11, $0xb8;
	[tilespmem:$0x1E600] =	vst v63  }
0x86: {  	_ =	swait.ge @!p2 [sflag:s17], $0x2000  }
0x87: {  	[sflag:s17] =	ssyncset.done @!p2 $0x0  }
0x88: {  	s7 =	sadd.s32 @!p2 $0x280, s7;
	[sflag:s17] =	ssyncadd.s32 @!p2 $0xFFFFE000  }
0x89: {  	[tilespmem:s16], [sflag:$0x2] =	stream.indirect.gather @!p2 [hbm4b:s1+s11], $0x80, s7, s11, $0xb8;
	[tilespmem:$0x1E600] =	vst v63  }
0x8a: {  	_ = 	snop  }
0x8b: {  	[tilespmem:s12], [sflag:$0x6] =	stream.linear.gather @!p2 [hbm4b:s4+s10], $0x40, $0x38;
	[tilespmem:$0x1E600] =	vst v63  }
0x8c: {  	_ =	swait.ge [sflag:s25], $0x2000  }
0x8d: {  	[sflag:s25] =	ssyncset.done $0x0  }
0x8e: {  	[sflag:s25] =	ssyncadd.s32 $0xFFFFE000  }
0x8f: {  	_ =	swait.ge [sflag:s9], $0x40  }
0x90: {  	[sflag:s9] =	ssyncset.done $0x0  }
.Ltmp4:
0x91: {  	[sflag:s9] =	ssyncadd.s32 $0xFFFFFFC0;
	(pc) =	sbr.rel @p2 .LBB2_5-.Ltmp4, $4  }
0x92: {  	[spmem:s2] =	stream.indirect.scatter.add.f32 [tilespmem:s0], [sflag:$0x9], $0x80, s8, s22, $0xb8;
	[tilespmem:$0x1E600] =	vst v63  }
0x93: {  	_ =	swait.ge [sflag:s21], $0x2000  }
0x94: {  	[sflag:s21] =	ssyncset.done $0x0  }
0x95: {  	[sflag:s21] =	ssyncadd.s32 $0xFFFFE000  }
0x96: {  	s7 =	sshra.s32 s30, $0x2  }
0x97: {  	s10 =	sadd.s32 $0x300, s7  }
0x98: {  	[tilespmem:s0], [sflag:$0x3] =	stream.indirect.gather [hbm4b:s1+s22], $0x80, s10, s22, $0xb8;
	[tilespmem:$0x1E600] =	vst v63  }
0x99: {  	_ = 	snop  }
0x9a: {  	[tilespmem:s8], [sflag:$0x7] =	stream.linear.gather [hbm4b:s13+s3], $0x40, $0x38;
	[tilespmem:$0x1E600] =	vst v63  }
0x9b: {  	_ =	swait.ge [sflag:s28], $0x2000  }
0x9c: {  	[sflag:s28] =	ssyncset.done $0x0  }
0x9d: {  	[sflag:s28] =	ssyncadd.s32 $0xFFFFE000  }
0x9e: {  	_ =	swait.ge [sflag:s29], $0x40  }
0x9f: {  	[sflag:s29] =	ssyncset.done $0x0  }
0xa0: {  	[sflag:s29] =	ssyncadd.s32 $0xFFFFFFC0  }
0xa1: {  	[spmem:s2] =	stream.indirect.scatter.add.f32 [tilespmem:s14], [sflag:$0x9], $0x80, s15, s22, $0xb8;
	[tilespmem:$0x1E600] =	vst v63  }
0xa2: {  	_ =	swait.ge [sflag:s21], $0x2000  }
0xa3: {  	[sflag:s21] =	ssyncset.done $0x0  }
.Ltmp5:
0xa4: {  	s7 =	sadd.s32 $0x380, s7;
	[sflag:s21] =	ssyncadd.s32 $0xFFFFE000;
	(pc) =	sbr.rel .LBB2_3-.Ltmp5, $4  }
0xa5: {  	[tilespmem:s14], [sflag:$0x4] =	stream.indirect.gather [hbm4b:s1+s22], $0x80, s7, s22, $0xb8;
	[tilespmem:$0x1E600] =	vst v63  }
0xa6: {  	s30 =	sadd.s32 $0x800, s30;
	s4 =	sadd.s32 $0x20, s4  }
0xa7: {  	[tilespmem:s15], [sflag:$0x8] =	stream.linear.gather [hbm4b:s31+s3], $0x40, $0x38;
	[tilespmem:$0x1E600] =	vst v63  }
0xa8: {  	s6 =	sadd.s32 $0x20, s6;
	s13 =	sadd.s32 $0x20, s13;
	s31 =	sadd.s32 $0x20, s31  }
.LBB2_7:
0xa9: {  	_ =	sfence.sel $0x180000  }
0xaa: {  	[bflag:$0x0] =	sbarrier.arrive $0xFFFF  }
0xab: {  	_ =	strace $0x90000047  }
0xac: {  	[bflag:$0x2] =	sbarrier.arrive $0xFFFF  }
0xad: {  	s0 =	rddreg [dreg:$0x3]  }
0xae: {  	s0 =	sadd.s32 @!p0 $0x100000, s0  }
0xaf: {  	[sflag:s0] =	ssyncadd.tile.s32 @!p0 $0x1;
	_ =	shalt  }
.Lfunc_end2:
_tile_overlayer_lowered:
.L_overlay_start_2:
0xb0: {  	(tag) =	ssettag $0x2  }
0xb1: {  	s0 =	rddreg [dreg:$0x0];
	s2 =	stileid.u32  }
0xb2: {  	s1 =	rddreg [dreg:$0x1];
	p0 =	sne.s32 s2, $0x0  }
0xb3: {  	s3 =	rddreg [dreg:$0x2];
	[bflag:$0x3] =	sbarrier.arrive $0xFFFF;
	s2 =	simm.s32 @!p0 $0x1C09  }
0xb4: {  	[timem:s3], [sflag:s2] =	dma.local @!p0 [hbm:s0], s1  }
0xb5: {  	s0 =	simm.s32 @!p0 $0x9  }
0xb6: {  	_ =	swait.ge @!p0 [sflag:s0], s1  }
0xb7: {  	s1 =	ssub.s32 @!p0 $0x0, s1;
	[sflag:s0] =	ssyncset.done @!p0 $0x0  }
0xb8: {  	[sflag:s0] =	ssyncadd.s32 @!p0 s1  }
0xb9: {  	[bflag:$0x3] =	sbarrier.arrive $0xFFFF  }
0xba: {  	_ =	shalt  }

// kernel: kernel.13.cloned.1.call-start
scs
__scs_entry_jumppad:
0x0: {  	(pc) =	sbr.rel $0x88, $3  }
0x1: {  	(tag) =	ssettag $0x0;
	lr =	simm.s32 $0x1  }
0x2: {  	[smem:$0x3F97] =	sst lr;
	_ =	strace $0xD0000000  }
0x3: {  	_ = 	snop  }
0x4: {  	_ = 	snop  }
0x5: {  	_ = 	snop  }
0x6: {  	_ = 	snop  }
0x7: {  	_ = 	snop  }
__scs_overlays_trampoline_lowered:
0x8: {  	[smem:$0x3FA6] =	sst s0  }
0x9: {  	[smem:$0x3FA7] =	sst s1  }
0xa: {  	[smem:$0x3FA8] =	sst s2  }
0xb: {  	[smem:$0x3FA9] =	sst s3  }
0xc: {  	[smem:$0x3FAA] =	sst s4  }
0xd: {  	[smem:$0x3FAB] =	sst s5  }
0xe: {  	[smem:$0x3FAC] =	sst s6  }
0xf: {  	[smem:$0x3FAD] =	sst s7  }
0x10: {  	[smem:$0x3FAE] =	sst s8  }
0x11: {  	[smem:$0x3FAF] =	sst s9;
	s0 =	simm.s32 @!p0 $0x0  }
0x12: {  	s1 =	sld [smem:$0x3F95];
	s0 =	simm.s32 @p0 $0x1  }
0x13: {  	[smem:$0x3FB0] =	sst s0;
	s0 =	simm.s32 @!p1 $0x0  }
0x14: {  	s2 =	sld [smem:$0x3F94];
	s0 =	simm.s32 @p1 $0x1  }
0x15: {  	[smem:$0x3FB1] =	sst s0;
	s0 =	simm.s32 @!p2 $0x0  }
0x16: {  	s3 =	sld [smem:$0x3FDB];
	s0 =	simm.s32 @p2 $0x1  }
0x17: {  	s4 =	simm.s32 $0x1BF5;
	[smem:$0x3FB3] =	sst s0  }
0x18: {  	s0 =	sld [smem:$0x3F96];
	_ =	swait.ge [sflag:s4], $0x0  }
0x19: {  	s7 =	sld [smem:$0x3F97]  }
0x1a: {  	s8 =	sadd.s32 $0xFFFFE003, lr  }
0x1b: {  	s9 =	sadd.s32 $0xFFFFFEF7, lr;
	s5 =	simm.s32 $0xFFFFFFFF;
	p2 =	slt.u32 s8, $0xFFFFF086  }
0x1c: {  	p1 =	slt.u32 s9, $0xF7A;
	s5 =	simm.s32 @!p2 $0x0  }
0x1d: {  	s5 =	simm.s32 @p1 $0x1;
	p0 =	seq.s32 s7, s2  }
0x1e: {  	s7 =	smul.u32 @!p0 $0xF7A, s2;
	p2 =	seq.s32 @!p0 s5, $0x0  }
0x1f: {  	s9 =	smul.u32 $0xF7A, s1;
	s8 =	simm.s32 @!p0 $0x1BF5;
	p2 =	por !p2, p0  }
0x20: {  	[sflag:s8] =	ssyncset.s32 @!p0 $0xFFFFF086;
	s6 =	sadd.s32 @!p0 s3, s7;
	s7 =	simm.s32 @!p0 $0x108  }
0x21: {  	s3 =	sadd.s32 s3, s9;
	s6 =	sadd.s32 @!p0 $0x88, s6;
	s7 =	simm.s32 @p2 $0x1082  }
0x22: {  	[simem:s7], [sflag:s8] =	dma.local @!p0 [hbm:s6], $0xF7A  }
0x23: {  	s9 =	sor.u32 $0xD0000000, s2;
	s6 =	simm.s32 $0x108;
	_ =	swait.ge @!p0 [sflag:s8], $0x0  }
0x24: {  	s3 =	sadd.s32 $0x88, s3;
	s6 =	simm.s32 @!p1 $0x1082;
	[sflag:s4] =	ssyncset.s32 $0xFFFFF086  }
0x25: {  	[simem:s6], [sflag:s4] =	dma.local [hbm:s3], $0xF7A  }
0x26: {  	[smem:$0x3F97] =	sst s1;
	(tag) =	ssettag s2;
	_ =	strace s9  }
0x27: {  	s1 =	sld [smem:$0x3FA7]  }
0x28: {  	s2 =	sld [smem:$0x3FA8]  }
0x29: {  	s4 =	sld [smem:$0x3FAA]  }
0x2a: {  	p0 =	seq.s32 s5, $0x0;
	s5 =	sld [smem:$0x3FAB]  }
0x2b: {  	s6 =	sld [smem:$0x3FAC]  }
0x2c: {  	s7 =	sld [smem:$0x3FAD]  }
0x2d: {  	s3 =	simm.s32 $0x108;
	s8 =	sld [smem:$0x3FAE]  }
0x2e: {  	s3 =	simm.s32 @!p0 $0x1082;
	s9 =	sld [smem:$0x3FAF]  }
0x2f: {  	lr =	sadd.s32 s0, s3;
	s0 =	sld [smem:$0x3FA6]  }
0x30: {  	s3 =	sld [smem:$0x3FA9]  }
0x31: {  	[smem:$0x3FB2] =	sst s10  }
0x32: {  	s10 =	sld [smem:$0x3FB0];
	_ =	sdelay $0x3  }
0x33: {  	p0 =	seq.s32 s10, $0x1;
	s10 =	sld [smem:$0x3FB2];
	_ =	sdelay $0x3  }
0x34: {  	[smem:$0x3FB2] =	sst s10  }
0x35: {  	s10 =	sld [smem:$0x3FB1];
	_ =	sdelay $0x3  }
0x36: {  	p1 =	seq.s32 s10, $0x1;
	s10 =	sld [smem:$0x3FB2];
	_ =	sdelay $0x3  }
0x37: {  	[smem:$0x3FB2] =	sst s10  }
0x38: {  	s10 =	sld [smem:$0x3FB3]  }
0x39: {  	_ = 	snop;
	(pc) =	sbr.ind lr, $3  }
0x3a: {  	_ = 	snop  }
0x3b: {  	_ = 	snop  }
0x3c: {  	p2 =	seq.s32 s10, $0x1;
	s10 =	sld [smem:$0x3FB2]  }
0x3d: {  	_ =	shalt  }
0x3e: {  	_ =	shalt  }
0x3f: {  	_ =	shalt  }
0x40: {  	_ =	shalt  }
0x41: {  	_ =	shalt  }
0x42: {  	_ =	shalt  }
0x43: {  	_ =	shalt  }
0x44: {  	_ =	shalt  }
0x45: {  	_ =	shalt  }
0x46: {  	_ =	shalt  }
0x47: {  	_ =	shalt  }
0x48: {  	_ =	shalt  }
0x49: {  	_ =	shalt  }
0x4a: {  	_ =	shalt  }
0x4b: {  	_ =	shalt  }
0x4c: {  	_ =	shalt  }
0x4d: {  	_ =	shalt  }
0x4e: {  	_ =	shalt  }
0x4f: {  	_ =	shalt  }
0x50: {  	_ =	shalt  }
0x51: {  	_ =	shalt  }
0x52: {  	_ =	shalt  }
0x53: {  	_ =	shalt  }
0x54: {  	_ =	shalt  }
0x55: {  	_ =	shalt  }
0x56: {  	_ =	shalt  }
0x57: {  	_ =	shalt  }
0x58: {  	_ =	shalt  }
0x59: {  	_ =	shalt  }
0x5a: {  	_ =	shalt  }
0x5b: {  	_ =	shalt  }
0x5c: {  	_ =	shalt  }
0x5d: {  	_ =	shalt  }
0x5e: {  	_ =	shalt  }
0x5f: {  	_ =	shalt  }
0x60: {  	_ =	shalt  }
0x61: {  	_ =	shalt  }
0x62: {  	_ =	shalt  }
0x63: {  	_ =	shalt  }
0x64: {  	_ =	shalt  }
0x65: {  	_ =	shalt  }
0x66: {  	_ =	shalt  }
0x67: {  	_ =	shalt  }
0x68: {  	_ =	shalt  }
0x69: {  	_ =	shalt  }
0x6a: {  	_ =	shalt  }
0x6b: {  	_ =	shalt  }
0x6c: {  	_ =	shalt  }
0x6d: {  	_ =	shalt  }
0x6e: {  	_ =	shalt  }
0x6f: {  	_ =	shalt  }
0x70: {  	_ =	shalt  }
0x71: {  	_ =	shalt  }
0x72: {  	_ =	shalt  }
0x73: {  	_ =	shalt  }
0x74: {  	_ =	shalt  }
0x75: {  	_ =	shalt  }
0x76: {  	_ =	shalt  }
0x77: {  	_ =	shalt  }
0x78: {  	_ =	shalt  }
0x79: {  	_ =	shalt  }
0x7a: {  	_ =	shalt  }
0x7b: {  	_ =	shalt  }
0x7c: {  	_ =	shalt  }
0x7d: {  	_ =	shalt  }
0x7e: {  	_ =	shalt  }
0x7f: {  	_ =	shalt  }
0x80: {  	_ =	shalt  }
0x81: {  	_ =	shalt  }
0x82: {  	_ =	shalt  }
0x83: {  	_ =	shalt  }
0x84: {  	_ =	shalt  }
0x85: {  	_ =	shalt  }
0x86: {  	_ =	shalt  }
0x87: {  	_ =	shalt  }
.Lfunc_end0:
.L_simem_size_0:
called_computation.2_lowered:
.L_overlay_start_0:
0x88: {  	s2 =	sld [smem:$0x3FD9]  }
0x89: {  	s3 =	sld [smem:$0x3FFE];
	_ =	sdelay $0x1  }
0x8a: {  	s1 =	srdreg.scid  }
0x8b: {  	s0 =	sand.u32 $0x1, s1  }
0x8c: {  	s17 =	sshll.u32 s0, $0xA;
	s2 =	sadd.s32 s3, s2  }
0x8d: {  	s2 =	sadd.s32 s2, s17  }
0x8e: {  	[smem:$0x3FBE] =	sst s2  }
0x8f: {  	_ = 	snop  }
0x90: {  	s2 =	sld [smem:$0x3FD0];
	(tm) =	ssettm $0x1  }
0x91: {  	s18 =	sld [smem:$0x3FFB];
	_ =	sdelay $0x3  }
0x92: {  	_ =	strace s18  }
0x93: {  	s3 =	sld [smem:$0x3FFC];
	_ =	sdelay $0x3  }
0x94: {  	_ =	strace s3  }
0x95: {  	s3 =	sld [smem:$0x3FFD];
	_ =	sdelay $0x3  }
0x96: {  	_ =	strace s3  }
0x97: {  	_ =	strace $0x8FFFFFFF  }
0x98: {  	s19 =	sld [smem:$0x3FDB];
	_ =	sdelay $0x1  }
0x99: {  	s4 =	simm.s32 $_scs_section_size  }
0x9a: {  	s5 =	simm.s32 $_size__tile_overlayer_lowered;
	s6 =	simm.s32 $_tile_overlayer_lowered  }
0x9b: {  	s22 =	simm.s32 $0x1BFF;
	s21 =	sshll.u32 s6, $0x1;
	s3 =	sadd.s32 s4, s19  }
0x9c: {  	s7 =	simm.s32 $0x0;
	s20 =	sshll.u32 s5, $0x1;
	s5 =	sadd.s32 s21, s3  }
0x9d: {  	[timem:s7], [sflag:s22] =	dma.local [hbm:s5], s20  }
0x9e: {  	_ =	swait.ge [sflag:s22], s20  }
0x9f: {  	s4 =	ssub.s32 $0x0, s20;
	[sflag:s22] =	ssyncset.done $0x0  }
0xa0: {  	[sflag:s22] =	ssyncadd.s32 s4;
	_ =	sdelay $0x1  }
0xa1: {  	s23 =	simm.s32 $0x1B8B  }
0xa2: {  	_ =	swait.ge [sflag:s23], $0x1  }
0xa3: {  	[sflag:s23] =	ssyncset.done $0x0  }
0xa4: {  	s25 =	simm.s32 $0x1B8E;
	s24 =	sld [smem:$0x3FFE];
	[sflag:s23] =	ssyncadd.s32 $0xFFFFFFFF  }
0xa5: {  	s26 =	simm.s32 $execute0_lowered;
	[smem:$0x3FD2] =	sst s25  }
0xa6: {  	s5 =	sshll.u32 s26, $0x1;
	_ =	strace $0x8000004C;
	[dreg:$0x1] =	wrdreg $0xFFFFFFFF  }
0xa7: {  	s28 =	simm.s32 $_size_execute0_lowered;
	s3 =	sadd.s32 s3, s5;
	[dreg:$0x0] =	wrdreg $0x0  }
0xa8: {  	s5 =	sshll.u32 s28, $0x1;
	[dreg:$0x2] =	wrdreg s3  }
0xa9: {  	[dreg:$0x3] =	wrdreg s5  }
0xaa: {  	[dreg:$0x4] =	wrdreg $0xC0  }
0xab: {  	_ =	task [dreg:s7], $0x5FFFF  }
0xac: {  	[dreg:$0x1] =	wrdreg $0xFFFFFFFF  }
0xad: {  	[dreg:$0x0] =	wrdreg $0x60  }
0xae: {  	[dreg:$0x2] =	wrdreg s2  }
0xaf: {  	[dreg:$0x3] =	wrdreg s24  }
0xb0: {  	[dreg:$0x4] =	wrdreg $0xAA000  }
0xb1: {  	[dreg:$0x5] =	wrdreg $0x9  }
0xb2: {  	_ =	task.clear_ibuf [dreg:s7], $0x6FFFF;
	_ =	strace $0x9000004C  }
0xb3: {  	s29 =	simm.s32 $0x9;
	_ =	strace $0x8000004E  }
0xb4: {  	_ =	swait.ge [sflag:s29], $0x1  }
0xb5: {  	[sflag:s29] =	ssyncadd.s32 $0xFFFFFFFF  }
0xb6: {  	_ =	strace $0x9000004E  }
0xb7: {  	_ =	sfence  }
0xb8: {  	s30 =	sld [smem:$0x0];
	_ =	sdelay $0x2  }
0xb9: {  	s31 =	sshll.u32 s1, $0xD;
	s1 =	sshrl.u32 s1, $0x2  }
0xba: {  	s3 =	sand.u32 $0x4000, s31;
	s1 =	sadd.s32 s1, s30  }
0xbb: {  	s0 =	sor.u32 s3, s0;
	s1 =	sshll.u32 s1, $0x11  }
0xbc: {  	s0 =	sor.u32 s1, s0  }
0xbd: {  	s0 =	sadd.s32 $0x8F2B, s0  }
0xbe: {  	[sflag:s0] =	ssyncadd.remote.s32 $0x1  }
0xbf: {  	_ =	sfence.sel $0xFFFF  }
0xc0: {  	[dreg:$0x0] =	wrdreg $0xFFFFFFFF;
	(pc) =	sbr.abs _section_cstart, $3  }
0xc1: {  	[dreg:$0x1] =	wrdreg $0xFFFFFFFF  }
0xc2: {  	_ =	task.clear_ibuf [dreg:s7], $0x2FFFF;
	_ =	strace $0x9FFFFFFF  }
0xc3: {  	(tm) =	ssettm $0x7FFFFFFF  }
tec
execute0_lowered:
.L_overlay_start_1:
0x0: {  	(tag) =	ssettag $0x1  }
0x1: {  	s1 =	rddreg [dreg:$0x0]  }
0x2: {  	s0 =	rddreg [dreg:$0x1]  }
0x3: {  	s2 =	rddreg [dreg:$0x2];
	s3 =	simm.s32 $0x0;
	s4 =	stileid.u32  }
0x4: {  	s7 =	srdreg.scid;
	s28 =	simm.s32 $0x4;
	s6 =	smul.u32 $0x2780, s4  }
0x5: {  	s29 =	simm.s32 $0x8;
	[smem:$0x7FF] =	sst s3;
	s10 =	smul.u32 $0x4F000, s4  }
0x6: {  	s5 =	sadd.s32 $0xC600, s0;
	s8 =	sand.u32 $0x1, s7;
	s19 =	smul.u32 $0x13800, s4  }
0x7: {  	s17 =	sshll.u32 s4, $0x1;
	s18 =	sshll.u32 s4, $0x6;
	s15 =	smul.u32 $0x4E000, s4  }
0x8: {  	s16 =	smul.u32 $0x5000, s4;
	p0 =	sne.s32 s4, $0x0;
	_ =	strace $0x8000004D  }
0x9: {  	[dreg:$0x4] =	wrdreg s5;
	s5 =	sadd.s32 $0x2600, s0;
	s14 =	smul.u32 $0x138800, s8  }
0xa: {  	s9 =	ssub.s32 $0x2, s8;
	s7 =	sor.u32 s8, s17;
	s8 =	smul.u32 $0x2800, s8  }
0xb: {  	s6 =	sadd.s32 s6, s0;
	s0 =	sadd.s32 $0x47E00, s0;
	s12 =	smul.u32 $0x2800, s7  }
0xc: {  	s11 =	sshrl.u32 s9, $0x1;
	s10 =	sshrl.u32 s10, $0x2;
	s7 =	smul.u32 $0x5000, s7  }
0xd: {  	s23 =	sshrl.u32 s15, $0x2;
	s15 =	simm.s32 $0x2980;
	s9 =	ssub.s32 s9, s11  }
0xe: {  	s13 =	sadd.s32 s10, s2;
	s6 =	sadd.s32 $0x20600, s6;
	[dreg:$0x6] =	wrdreg s7  }
0xf: {  	s24 =	sadd.s32 s8, s16;
	s8 =	sadd.s32 $0x138000, s2;
	[dreg:$0x7] =	wrdreg s6  }
0x10: {  	s10 =	simm.s32 $0x0;
	s20 =	sor.u32 $0x40, s12;
	[dreg:$0x5] =	wrdreg s12  }
0x11: {  	s7 =	sor.u32 $0x1C09, s18;
	s21 =	sor.u32 $0x80, s12;
	[dreg:$0x9] =	wrdreg s20  }
0x12: {  	s22 =	sor.u32 $0xC0, s12;
	s6 =	sadd.s32 s19, s14;
	[dreg:$0xa] =	wrdreg s21  }
0x13: {  	s14 =	sshrl.u32 s14, $0x3;
	s9 =	smax.u32 s9, $0x1;
	[dreg:$0xb] =	wrdreg s22  }
0x14: {  	s25 =	sor.u32 $0x1C0, s24;
	s26 =	sor.u32 $0x180, s24;
	[dreg:$0xe] =	wrdreg s9  }
0x15: {  	s18 =	sor.u32 $0x140, s24;
	s19 =	sor.u32 $0x100, s24;
	[dreg:$0xf] =	wrdreg s25  }
0x16: {  	s30 =	sshrl.u32 s13, $0x3;
	s24 =	simm.s32 $0x5;
	[dreg:$0x10] =	wrdreg s26  }
0x17: {  	s6 =	sshrl.u32 s6, $0x3;
	[dreg:$0x11] =	wrdreg s30;
	s21 =	simm.s32 $0x9  }
0x18: {  	s22 =	simm.s32 $0x40;
	s26 =	simm.s32 $0x2800;
	s20 =	simm.s32 $0x1  }
0x19: {  	s25 =	simm.s32 $0x3;
	s9 =	simm.s32 $0x7;
	[dreg:$0x8] =	wrdreg s7  }
.Ltmp0:
0x1a: {  	s6 =	sadd.s32 s0, s6;
	s0 =	sadd.s32 s0, s14;
	(pc) =	sbr.rel .LBB2_1-.Ltmp0, $4  }
0x1b: {  	[dreg:$0xc] =	wrdreg s6;
	s6 =	sadd.s32 s23, s2;
	s0 =	sadd.s32 $0x27000, s0  }
0x1c: {  	s14 =	simm.s32 $0x8A00;
	[dreg:$0xd] =	wrdreg s0;
	s31 =	sshrl.u32 s6, $0x3  }
0x1d: {  	s23 =	simm.s32 $0x2A00;
	s0 =	sshrl.u32 @!p0 s8, $0x3;
	[dreg:$0x12] =	wrdreg s31  }
0x1e: {  	s8 =	simm.s32 $0x2900;
	[dreg:$0x13] =	wrdreg s0;
	s0 =	simm.s32 $0x6A00  }
.LBB2_6:
0x1f: {  	[bflag:$0x0] =	sbarrier.arrive $0xFFFF  }
0x20: {  	s7 =	rddreg [dreg:$0x8]  }
0x21: {  	s4 =	rddreg [dreg:$0xc]  }
0x22: {  	s6 =	rddreg [dreg:$0x12]  }
0x23: {  	[hbm:s4], [sflag:s7] =	dma.local [spmem:s6], $0x2700  }
0x24: {  	_ =	swait.ge [sflag:s21], $0x2700  }
0x25: {  	[sflag:s21] =	ssyncset.done $0x0;
	s4 =	rddreg [dreg:$0xd]  }
0x26: {  	s6 =	rddreg [dreg:$0x13];
	[sflag:s21] =	ssyncadd.s32 $0xFFFFD900  }
0x27: {  	[hbm:s4], [sflag:s7] =	dma.local @!p0 [spmem:s6], $0x100  }
0x28: {  	s4 =	simm.s32 @!p0 $0x9  }
0x29: {  	_ =	swait.ge @!p0 [sflag:s4], $0x100  }
0x2a: {  	s10 =	rddreg [dreg:$0x14]  }
0x2b: {  	s31 =	rddreg [dreg:$0xe];
	s10 =	sadd.s32 $0x1, s10  }
0x2c: {  	p1 =	sne.s32 s10, s31  }
.Ltmp1:
0x2d: {  	_ = 	snop;
	(pc) =	sbr.rel @!p1 .LBB2_7-.Ltmp1, $3  }
0x2e: {  	_ =	sdelay $0x1  }
0x2f: {  	[sflag:s4] =	ssyncset.done @!p0 $0x0  }
0x30: {  	[sflag:s4] =	ssyncadd.s32 @!p0 $0xFFFFFF00  }
.LBB2_1:
0x31: {  	[dreg:$0x14] =	wrdreg s10  }
0x32: {  	s4 =	rddreg [dreg:$0x7]  }
0x33: {  	s6 =	rddreg [dreg:$0x11]  }
0x34: {  	[spmem:s6], [sflag:s7] =	dma.local [hbm:s4], $0x2780  }
.Ltmp2:
0x35: {  	_ =	swait.ge [sflag:s21], $0x2780;
	(pc) =	sbr.rel .LBB2_2-.Ltmp2, $4  }
0x36: {  	[sflag:s21] =	ssyncset.done $0x0  }
0x37: {  	[sflag:s21] =	ssyncadd.s32 $0xFFFFD880  }
0x38: {  	[bflag:$0x0] =	sbarrier.arrive $0xFFFF  }
0x39: {  	p2 =	por $0x1, $0x1;
	s4 =	simm.s32 $0x0  }
.LBB2_5:
0x3a: {  	_ =	swait.ge [sflag:s28], $0x2000  }
0x3b: {  	[sflag:s28] =	ssyncset.done $0x0  }
0x3c: {  	[sflag:s28] =	ssyncadd.s32 $0xFFFFE000  }
0x3d: {  	_ =	swait.ge [sflag:s29], $0x40  }
0x3e: {  	[sflag:s29] =	ssyncset.done $0x0  }
.Ltmp3:
0x3f: {  	[sflag:s29] =	ssyncadd.s32 $0xFFFFFFC0;
	(pc) =	sbr.rel @!p1 .LBB2_6-.Ltmp3, $4  }
0x40: {  	[spmem:s2] =	stream.indirect.scatter.add.f32 [tilespmem:s14], [sflag:$0x9], $0x80, s15, s22, $0xb8;
	[tilespmem:$0x1E600] =	vst v63  }
0x41: {  	_ =	swait.ge [sflag:s21], $0x2000  }
0x42: {  	[sflag:s21] =	ssyncset.done $0x0  }
0x43: {  	s4 =	simm.s32 $0x1;
	p2 =	por $0x0, $0x0;
	[sflag:s21] =	ssyncadd.s32 $0xFFFFE000  }
.LBB2_2:
0x44: {  	s6 =	smul.u32 $0x2800, s4  }
0x45: {  	s7 =	rddreg [dreg:$0x6]  }
0x46: {  	s6 =	sadd.s32 s7, s6  }
0x47: {  	s10 =	rddreg [dreg:$0x4];
	s6 =	sshrl.u32 s6, $0x3  }
0x48: {  	s30 =	simm.s32 $0x0;
	s6 =	sadd.s32 s10, s6  }
0x49: {  	[tilespmem:s30], [sflag:$0x9] =	stream.linear.gather [hbm4b:s6+s30], $0x2800, $0x38;
	[tilespmem:$0x1E600] =	vst v63  }
0x4a: {  	s4 =	smul.u32 $0x1400, s4;
	_ =	swait.ge [sflag:s21], $0x2800  }
0x4b: {  	[sflag:s21] =	ssyncset.done $0x0;
	s11 =	rddreg [dreg:$0x5]  }
0x4c: {  	[sflag:s21] =	ssyncadd.s32 $0xFFFFD800;
	s6 =	sadd.s32 s11, s4  }
0x4d: {  	[tilespmem:s23], [sflag:$0x1] =	stream.indirect.gather [hbm4b:s1+s22], $0x80, s30, s22, $0xb8;
	[tilespmem:$0x1E600] =	vst v63  }
0x4e: {  	s6 =	sshrl.u32 s6, $0x3  }
0x4f: {  	s16 =	rddreg [dreg:$0x9];
	s6 =	sadd.s32 s5, s6  }
0x50: {  	[tilespmem:s26], [sflag:$0x5] =	stream.linear.gather [hbm4b:s6+s30], $0x40, $0x38;
	[tilespmem:$0x1E600] =	vst v63  }
0x51: {  	s6 =	sadd.s32 s4, s16  }
0x52: {  	s12 =	simm.s32 $0x80;
	s13 =	simm.s32 $0x4A00;
	s6 =	sshrl.u32 s6, $0x3  }
0x53: {  	[tilespmem:s13], [sflag:$0x2] =	stream.indirect.gather [hbm4b:s1+s22], $0x80, s12, s22, $0xb8;
	[tilespmem:$0x1E600] =	vst v63  }
0x54: {  	s17 =	simm.s32 $0x2880;
	s10 =	rddreg [dreg:$0xa];
	s6 =	sadd.s32 s5, s6  }
0x55: {  	[tilespmem:s17], [sflag:$0x6] =	stream.linear.gather [hbm4b:s6+s30], $0x40, $0x38;
	[tilespmem:$0x1E600] =	vst v63  }
0x56: {  	s6 =	sadd.s32 s4, s10  }
0x57: {  	s7 =	simm.s32 $0x100;
	s6 =	sshrl.u32 s6, $0x3  }
0x58: {  	[tilespmem:s0], [sflag:$0x3] =	stream.indirect.gather [hbm4b:s1+s22], $0x80, s7, s22, $0xb8;
	[tilespmem:$0x1E600] =	vst v63  }
0x59: {  	s12 =	rddreg [dreg:$0xb];
	s6 =	sadd.s32 s5, s6  }
0x5a: {  	[tilespmem:s8], [sflag:$0x7] =	stream.linear.gather [hbm4b:s6+s30], $0x40, $0x38;
	[tilespmem:$0x1E600] =	vst v63  }
0x5b: {  	s6 =	sadd.s32 s4, s12  }
0x5c: {  	s11 =	simm.s32 $0x180;
	s6 =	sshrl.u32 s6, $0x3  }
0x5d: {  	[tilespmem:s14], [sflag:$0x4] =	stream.indirect.gather [hbm4b:s1+s22], $0x80, s11, s22, $0xb8;
	[tilespmem:$0x1E600] =	vst v63  }
0x5e: {  	s13 =	rddreg [dreg:$0xf];
	s6 =	sadd.s32 s5, s6  }
0x5f: {  	[tilespmem:s15], [sflag:$0x8] =	stream.linear.gather [hbm4b:s6+s30], $0x40, $0x38;
	[tilespmem:$0x1E600] =	vst v63  }
0x60: {  	p1 =	por p2, p2;
	s6 =	sadd.s32 s4, s13  }
0x61: {  	s16 =	rddreg [dreg:$0x10];
	s13 =	sadd.s32 s4, s18;
	s6 =	sshrl.u32 s6, $0x3  }
0x62: {  	s31 =	sadd.s32 s6, s5;
	s6 =	sadd.s32 s4, s16;
	s4 =	sadd.s32 s4, s19  }
0x63: {  	s17 =	sshrl.u32 s13, $0x3;
	s6 =	sshrl.u32 s6, $0x3;
	s10 =	sshrl.u32 s4, $0x3  }
0x64: {  	s4 =	sadd.s32 s17, s5;
	s13 =	sadd.s32 s6, s5;
	s6 =	sadd.s32 s10, s5  }
.LBB2_3:
0x65: {  	_ =	swait.ge [sflag:s20], $0x2000  }
0x66: {  	[sflag:s20] =	ssyncset.done $0x0  }
0x67: {  	[sflag:s20] =	ssyncadd.s32 $0xFFFFE000  }
0x68: {  	_ =	swait.ge [sflag:s24], $0x40  }
0x69: {  	[sflag:s24] =	ssyncset.done $0x0  }
0x6a: {  	[sflag:s24] =	ssyncadd.s32 $0xFFFFFFC0  }
0x6b: {  	[spmem:s2] =	stream.indirect.scatter.add.f32 [tilespmem:s23], [sflag:$0x9], $0x80, s26, s22, $0xb8;
	[tilespmem:$0x1E600] =	vst v63  }
0x6c: {  	_ =	swait.ge [sflag:s21], $0x2000  }
0x6d: {  	p2 =	seq.s32 s30, $0x9800;
	[sflag:s21] =	ssyncset.done $0x0  }
0x6e: {  	s7 =	simm.s32 @p2 $0x2;
	[sflag:s21] =	ssyncadd.s32 $0xFFFFE000  }
0x6f: {  	_ =	swait.ge @p2 [sflag:s7], $0x2000  }
0x70: {  	[sflag:s7] =	ssyncset.done @p2 $0x0  }
0x71: {  	[sflag:s7] =	ssyncadd.s32 @p2 $0xFFFFE000;
	s7 =	simm.s32 @p2 $0x6  }
0x72: {  	_ =	swait.ge @p2 [sflag:s7], $0x40  }
0x73: {  	s10 =	simm.s32 @p2 $0x2880;
	[sflag:s7] =	ssyncset.done @p2 $0x0  }
0x74: {  	s11 =	simm.s32 @p2 $0x4A00;
	[sflag:s7] =	ssyncadd.s32 @p2 $0xFFFFFFC0;
	s7 =	simm.s32 @p2 $0x40  }
0x75: {  	[spmem:s2] =	stream.indirect.scatter.add.f32 @p2 [tilespmem:s11], [sflag:$0x9], $0x80, s10, s7, $0xb8;
	[tilespmem:$0x1E600] =	vst v63  }
0x76: {  	s7 =	simm.s32 @p2 $0x9  }
0x77: {  	_ =	swait.ge @p2 [sflag:s7], $0x2000  }
0x78: {  	[sflag:s7] =	ssyncset.done @p2 $0x0  }
0x79: {  	[sflag:s7] =	ssyncadd.s32 @p2 $0xFFFFE000;
	s7 =	sshra.s32 @!p2 s30, $0x2  }
0x7a: {  	s12 =	simm.s32 @!p2 $0x2A00;
	s11 =	simm.s32 @!p2 $0x40;
	s10 =	sadd.s32 @!p2 $0x200, s7  }
0x7b: {  	[tilespmem:s12], [sflag:$0x1] =	stream.indirect.gather @!p2 [hbm4b:s1+s11], $0x80, s10, s11, $0xb8;
	[tilespmem:$0x1E600] =	vst v63  }
0x7c: {  	s10 =	simm.s32 @!p2 $0x0;
	s12 =	simm.s32 @!p2 $0x2800  }
0x7d: {  	[tilespmem:s12], [sflag:$0x5] =	stream.linear.gather @!p2 [hbm4b:s6+s10], $0x40, $0x38;
	[tilespmem:$0x1E600] =	vst v63  }
0x7e: {  	s12 =	simm.s32 @!p2 $0x2  }
0x7f: {  	_ =	swait.ge @!p2 [sflag:s12], $0x2000  }
0x80: {  	[sflag:s12] =	ssyncset.done @!p2 $0x0  }
0x81: {  	[sflag:s12] =	ssyncadd.s32 @!p2 $0xFFFFE000;
	s12 =	simm.s32 @!p2 $0x6  }
0x82: {  	_ =	swait.ge @!p2 [sflag:s12], $0x40  }
0x83: {  	s16 =	simm.s32 @!p2 $0x4A00;
	[sflag:s12] =	ssyncset.done @!p2 $0x0  }
0x84: {  	s17 =	simm.s32 @!p2 $0x9;
	[sflag:s12] =	ssyncadd.s32 @!p2 $0xFFFFFFC0;
	s12 =	simm.s32 @!p2 $0x2880  }
0x85: {  	[spmem:s2] =	stream.indirect.scatter.add.f32 @!p2 [tilespmem:s16], [sflag:$0x9], $0x80, s12, s11, $0xb8;
	[tilespmem:$0x1E600] =	vst v63  }
0x86: {  	_ =	swait.ge @!p2 [sflag:s17], $0x2000  }
0x87: {  	[sflag:s17] =	ssyncset.done @!p2 $0x0  }
0x88: {  	s7 =	sadd.s32 @!p2 $0x280, s7;
	[sflag:s17] =	ssyncadd.s32 @!p2 $0xFFFFE000  }
0x89: {  	[tilespmem:s16], [sflag:$0x2] =	stream.indirect.gather @!p2 [hbm4b:s1+s11], $0x80, s7, s11, $0xb8;
	[tilespmem:$0x1E600] =	vst v63  }
0x8a: {  	_ = 	snop  }
0x8b: {  	[tilespmem:s12], [sflag:$0x6] =	stream.linear.gather @!p2 [hbm4b:s4+s10], $0x40, $0x38;
	[tilespmem:$0x1E600] =	vst v63  }
0x8c: {  	_ =	swait.ge [sflag:s25], $0x2000  }
0x8d: {  	[sflag:s25] =	ssyncset.done $0x0  }
0x8e: {  	[sflag:s25] =	ssyncadd.s32 $0xFFFFE000  }
0x8f: {  	_ =	swait.ge [sflag:s9], $0x40  }
0x90: {  	[sflag:s9] =	ssyncset.done $0x0  }
.Ltmp4:
0x91: {  	[sflag:s9] =	ssyncadd.s32 $0xFFFFFFC0;
	(pc) =	sbr.rel @p2 .LBB2_5-.Ltmp4, $4  }
0x92: {  	[spmem:s2] =	stream.indirect.scatter.add.f32 [tilespmem:s0], [sflag:$0x9], $0x80, s8, s22, $0xb8;
	[tilespmem:$0x1E600] =	vst v63  }
0x93: {  	_ =	swait.ge [sflag:s21], $0x2000  }
0x94: {  	[sflag:s21] =	ssyncset.done $0x0  }
0x95: {  	[sflag:s21] =	ssyncadd.s32 $0xFFFFE000  }
0x96: {  	s7 =	sshra.s32 s30, $0x2  }
0x97: {  	s10 =	sadd.s32 $0x300, s7  }
0x98: {  	[tilespmem:s0], [sflag:$0x3] =	stream.indirect.gather [hbm4b:s1+s22], $0x80, s10, s22, $0xb8;
	[tilespmem:$0x1E600] =	vst v63  }
0x99: {  	_ = 	snop  }
0x9a: {  	[tilespmem:s8], [sflag:$0x7] =	stream.linear.gather [hbm4b:s13+s3], $0x40, $0x38;
	[tilespmem:$0x1E600] =	vst v63  }
0x9b: {  	_ =	swait.ge [sflag:s28], $0x2000  }
0x9c: {  	[sflag:s28] =	ssyncset.done $0x0  }
0x9d: {  	[sflag:s28] =	ssyncadd.s32 $0xFFFFE000  }
0x9e: {  	_ =	swait.ge [sflag:s29], $0x40  }
0x9f: {  	[sflag:s29] =	ssyncset.done $0x0  }
0xa0: {  	[sflag:s29] =	ssyncadd.s32 $0xFFFFFFC0  }
0xa1: {  	[spmem:s2] =	stream.indirect.scatter.add.f32 [tilespmem:s14], [sflag:$0x9], $0x80, s15, s22, $0xb8;
	[tilespmem:$0x1E600] =	vst v63  }
0xa2: {  	_ =	swait.ge [sflag:s21], $0x2000  }
0xa3: {  	[sflag:s21] =	ssyncset.done $0x0  }
.Ltmp5:
0xa4: {  	s7 =	sadd.s32 $0x380, s7;
	[sflag:s21] =	ssyncadd.s32 $0xFFFFE000;
	(pc) =	sbr.rel .LBB2_3-.Ltmp5, $4  }
0xa5: {  	[tilespmem:s14], [sflag:$0x4] =	stream.indirect.gather [hbm4b:s1+s22], $0x80, s7, s22, $0xb8;
	[tilespmem:$0x1E600] =	vst v63  }
0xa6: {  	s30 =	sadd.s32 $0x800, s30;
	s4 =	sadd.s32 $0x20, s4  }
0xa7: {  	[tilespmem:s15], [sflag:$0x8] =	stream.linear.gather [hbm4b:s31+s3], $0x40, $0x38;
	[tilespmem:$0x1E600] =	vst v63  }
0xa8: {  	s6 =	sadd.s32 $0x20, s6;
	s13 =	sadd.s32 $0x20, s13;
	s31 =	sadd.s32 $0x20, s31  }
.LBB2_7:
0xa9: {  	_ =	sfence.sel $0x180000  }
0xaa: {  	[bflag:$0x0] =	sbarrier.arrive $0xFFFF  }
0xab: {  	_ =	strace $0x9000004D  }
0xac: {  	[bflag:$0x2] =	sbarrier.arrive $0xFFFF  }
0xad: {  	s0 =	rddreg [dreg:$0x3]  }
0xae: {  	s0 =	sadd.s32 @!p0 $0x100000, s0  }
0xaf: {  	[sflag:s0] =	ssyncadd.tile.s32 @!p0 $0x1;
	_ =	shalt  }
.Lfunc_end2:
_tile_overlayer_lowered:
.L_overlay_start_2:
0xb0: {  	(tag) =	ssettag $0x2  }
0xb1: {  	s0 =	rddreg [dreg:$0x0];
	s2 =	stileid.u32  }
0xb2: {  	s1 =	rddreg [dreg:$0x1];
	p0 =	sne.s32 s2, $0x0  }
0xb3: {  	s3 =	rddreg [dreg:$0x2];
	[bflag:$0x3] =	sbarrier.arrive $0xFFFF;
	s2 =	simm.s32 @!p0 $0x1C09  }
0xb4: {  	[timem:s3], [sflag:s2] =	dma.local @!p0 [hbm:s0], s1  }
0xb5: {  	s0 =	simm.s32 @!p0 $0x9  }
0xb6: {  	_ =	swait.ge @!p0 [sflag:s0], s1  }
0xb7: {  	s1 =	ssub.s32 @!p0 $0x0, s1;
	[sflag:s0] =	ssyncset.done @!p0 $0x0  }
0xb8: {  	[sflag:s0] =	ssyncadd.s32 @!p0 s1  }
0xb9: {  	[bflag:$0x3] =	sbarrier.arrive $0xFFFF  }
0xba: {  	_ =	shalt  }

// kernel: kernel.7.cloned.1.call-start
scs
__scs_entry_jumppad:
0x0: {  	(pc) =	sbr.rel $0x88, $3  }
0x1: {  	(tag) =	ssettag $0x0;
	lr =	simm.s32 $0x1  }
0x2: {  	[smem:$0x3F97] =	sst lr;
	_ =	strace $0xD0000000  }
0x3: {  	_ = 	snop  }
0x4: {  	_ = 	snop  }
0x5: {  	_ = 	snop  }
0x6: {  	_ = 	snop  }
0x7: {  	_ = 	snop  }
__scs_overlays_trampoline_lowered:
0x8: {  	[smem:$0x3FA6] =	sst s0  }
0x9: {  	[smem:$0x3FA7] =	sst s1  }
0xa: {  	[smem:$0x3FA8] =	sst s2  }
0xb: {  	[smem:$0x3FA9] =	sst s3  }
0xc: {  	[smem:$0x3FAA] =	sst s4  }
0xd: {  	[smem:$0x3FAB] =	sst s5  }
0xe: {  	[smem:$0x3FAC] =	sst s6  }
0xf: {  	[smem:$0x3FAD] =	sst s7  }
0x10: {  	[smem:$0x3FAE] =	sst s8  }
0x11: {  	[smem:$0x3FAF] =	sst s9;
	s0 =	simm.s32 @!p0 $0x0  }
0x12: {  	s1 =	sld [smem:$0x3F95];
	s0 =	simm.s32 @p0 $0x1  }
0x13: {  	[smem:$0x3FB0] =	sst s0;
	s0 =	simm.s32 @!p1 $0x0  }
0x14: {  	s2 =	sld [smem:$0x3F94];
	s0 =	simm.s32 @p1 $0x1  }
0x15: {  	[smem:$0x3FB1] =	sst s0;
	s0 =	simm.s32 @!p2 $0x0  }
0x16: {  	s3 =	sld [smem:$0x3FDB];
	s0 =	simm.s32 @p2 $0x1  }
0x17: {  	s4 =	simm.s32 $0x1BF5;
	[smem:$0x3FB3] =	sst s0  }
0x18: {  	s0 =	sld [smem:$0x3F96];
	_ =	swait.ge [sflag:s4], $0x0  }
0x19: {  	s7 =	sld [smem:$0x3F97]  }
0x1a: {  	s8 =	sadd.s32 $0xFFFFE003, lr  }
0x1b: {  	s9 =	sadd.s32 $0xFFFFFEF7, lr;
	s5 =	simm.s32 $0xFFFFFFFF;
	p2 =	slt.u32 s8, $0xFFFFF086  }
0x1c: {  	p1 =	slt.u32 s9, $0xF7A;
	s5 =	simm.s32 @!p2 $0x0  }
0x1d: {  	s5 =	simm.s32 @p1 $0x1;
	p0 =	seq.s32 s7, s2  }
0x1e: {  	s7 =	smul.u32 @!p0 $0xF7A, s2;
	p2 =	seq.s32 @!p0 s5, $0x0  }
0x1f: {  	s9 =	smul.u32 $0xF7A, s1;
	s8 =	simm.s32 @!p0 $0x1BF5;
	p2 =	por !p2, p0  }
0x20: {  	[sflag:s8] =	ssyncset.s32 @!p0 $0xFFFFF086;
	s6 =	sadd.s32 @!p0 s3, s7;
	s7 =	simm.s32 @!p0 $0x108  }
0x21: {  	s3 =	sadd.s32 s3, s9;
	s6 =	sadd.s32 @!p0 $0x88, s6;
	s7 =	simm.s32 @p2 $0x1082  }
0x22: {  	[simem:s7], [sflag:s8] =	dma.local @!p0 [hbm:s6], $0xF7A  }
0x23: {  	s9 =	sor.u32 $0xD0000000, s2;
	s6 =	simm.s32 $0x108;
	_ =	swait.ge @!p0 [sflag:s8], $0x0  }
0x24: {  	s3 =	sadd.s32 $0x88, s3;
	s6 =	simm.s32 @!p1 $0x1082;
	[sflag:s4] =	ssyncset.s32 $0xFFFFF086  }
0x25: {  	[simem:s6], [sflag:s4] =	dma.local [hbm:s3], $0xF7A  }
0x26: {  	[smem:$0x3F97] =	sst s1;
	(tag) =	ssettag s2;
	_ =	strace s9  }
0x27: {  	s1 =	sld [smem:$0x3FA7]  }
0x28: {  	s2 =	sld [smem:$0x3FA8]  }
0x29: {  	s4 =	sld [smem:$0x3FAA]  }
0x2a: {  	p0 =	seq.s32 s5, $0x0;
	s5 =	sld [smem:$0x3FAB]  }
0x2b: {  	s6 =	sld [smem:$0x3FAC]  }
0x2c: {  	s7 =	sld [smem:$0x3FAD]  }
0x2d: {  	s3 =	simm.s32 $0x108;
	s8 =	sld [smem:$0x3FAE]  }
0x2e: {  	s3 =	simm.s32 @!p0 $0x1082;
	s9 =	sld [smem:$0x3FAF]  }
0x2f: {  	lr =	sadd.s32 s0, s3;
	s0 =	sld [smem:$0x3FA6]  }
0x30: {  	s3 =	sld [smem:$0x3FA9]  }
0x31: {  	[smem:$0x3FB2] =	sst s10  }
0x32: {  	s10 =	sld [smem:$0x3FB0];
	_ =	sdelay $0x3  }
0x33: {  	p0 =	seq.s32 s10, $0x1;
	s10 =	sld [smem:$0x3FB2];
	_ =	sdelay $0x3  }
0x34: {  	[smem:$0x3FB2] =	sst s10  }
0x35: {  	s10 =	sld [smem:$0x3FB1];
	_ =	sdelay $0x3  }
0x36: {  	p1 =	seq.s32 s10, $0x1;
	s10 =	sld [smem:$0x3FB2];
	_ =	sdelay $0x3  }
0x37: {  	[smem:$0x3FB2] =	sst s10  }
0x38: {  	s10 =	sld [smem:$0x3FB3]  }
0x39: {  	_ = 	snop;
	(pc) =	sbr.ind lr, $3  }
0x3a: {  	_ = 	snop  }
0x3b: {  	_ = 	snop  }
0x3c: {  	p2 =	seq.s32 s10, $0x1;
	s10 =	sld [smem:$0x3FB2]  }
0x3d: {  	_ =	shalt  }
0x3e: {  	_ =	shalt  }
0x3f: {  	_ =	shalt  }
0x40: {  	_ =	shalt  }
0x41: {  	_ =	shalt  }
0x42: {  	_ =	shalt  }
0x43: {  	_ =	shalt  }
0x44: {  	_ =	shalt  }
0x45: {  	_ =	shalt  }
0x46: {  	_ =	shalt  }
0x47: {  	_ =	shalt  }
0x48: {  	_ =	shalt  }
0x49: {  	_ =	shalt  }
0x4a: {  	_ =	shalt  }
0x4b: {  	_ =	shalt  }
0x4c: {  	_ =	shalt  }
0x4d: {  	_ =	shalt  }
0x4e: {  	_ =	shalt  }
0x4f: {  	_ =	shalt  }
0x50: {  	_ =	shalt  }
0x51: {  	_ =	shalt  }
0x52: {  	_ =	shalt  }
0x53: {  	_ =	shalt  }
0x54: {  	_ =	shalt  }
0x55: {  	_ =	shalt  }
0x56: {  	_ =	shalt  }
0x57: {  	_ =	shalt  }
0x58: {  	_ =	shalt  }
0x59: {  	_ =	shalt  }
0x5a: {  	_ =	shalt  }
0x5b: {  	_ =	shalt  }
0x5c: {  	_ =	shalt  }
0x5d: {  	_ =	shalt  }
0x5e: {  	_ =	shalt  }
0x5f: {  	_ =	shalt  }
0x60: {  	_ =	shalt  }
0x61: {  	_ =	shalt  }
0x62: {  	_ =	shalt  }
0x63: {  	_ =	shalt  }
0x64: {  	_ =	shalt  }
0x65: {  	_ =	shalt  }
0x66: {  	_ =	shalt  }
0x67: {  	_ =	shalt  }
0x68: {  	_ =	shalt  }
0x69: {  	_ =	shalt  }
0x6a: {  	_ =	shalt  }
0x6b: {  	_ =	shalt  }
0x6c: {  	_ =	shalt  }
0x6d: {  	_ =	shalt  }
0x6e: {  	_ =	shalt  }
0x6f: {  	_ =	shalt  }
0x70: {  	_ =	shalt  }
0x71: {  	_ =	shalt  }
0x72: {  	_ =	shalt  }
0x73: {  	_ =	shalt  }
0x74: {  	_ =	shalt  }
0x75: {  	_ =	shalt  }
0x76: {  	_ =	shalt  }
0x77: {  	_ =	shalt  }
0x78: {  	_ =	shalt  }
0x79: {  	_ =	shalt  }
0x7a: {  	_ =	shalt  }
0x7b: {  	_ =	shalt  }
0x7c: {  	_ =	shalt  }
0x7d: {  	_ =	shalt  }
0x7e: {  	_ =	shalt  }
0x7f: {  	_ =	shalt  }
0x80: {  	_ =	shalt  }
0x81: {  	_ =	shalt  }
0x82: {  	_ =	shalt  }
0x83: {  	_ =	shalt  }
0x84: {  	_ =	shalt  }
0x85: {  	_ =	shalt  }
0x86: {  	_ =	shalt  }
0x87: {  	_ =	shalt  }
.Lfunc_end0:
.L_simem_size_0:
called_computation_lowered:
.L_overlay_start_0:
0x88: {  	s2 =	sld [smem:$0x3FD9]  }
0x89: {  	s3 =	sld [smem:$0x3FFE];
	_ =	sdelay $0x1  }
0x8a: {  	s1 =	srdreg.scid  }
0x8b: {  	s0 =	sand.u32 $0x1, s1  }
0x8c: {  	s17 =	sshll.u32 s0, $0xA;
	s2 =	sadd.s32 s3, s2  }
0x8d: {  	s2 =	sadd.s32 s2, s17  }
0x8e: {  	[smem:$0x3FBE] =	sst s2  }
0x8f: {  	_ = 	snop  }
0x90: {  	s18 =	sld [smem:$0x3FD0];
	(tm) =	ssettm $0x1  }
0x91: {  	s19 =	sld [smem:$0x3FFB];
	_ =	sdelay $0x3  }
0x92: {  	_ =	strace s19  }
0x93: {  	s2 =	sld [smem:$0x3FFC];
	_ =	sdelay $0x3  }
0x94: {  	_ =	strace s2  }
0x95: {  	s2 =	sld [smem:$0x3FFD];
	_ =	sdelay $0x3  }
0x96: {  	_ =	strace s2  }
0x97: {  	_ =	strace $0x8FFFFFFF  }
0x98: {  	s20 =	sld [smem:$0x3FDB];
	_ =	sdelay $0x1  }
0x99: {  	s4 =	simm.s32 $_scs_section_size  }
0x9a: {  	s5 =	simm.s32 $_size__tile_overlayer_lowered;
	s6 =	simm.s32 $_tile_overlayer_lowered  }
0x9b: {  	s7 =	simm.s32 $0x1BFF;
	s21 =	sshll.u32 s6, $0x1;
	s4 =	sadd.s32 s4, s20  }
0x9c: {  	s22 =	simm.s32 $0x0;
	s5 =	sshll.u32 s5, $0x1;
	s6 =	sadd.s32 s21, s4  }
0x9d: {  	[timem:s22], [sflag:s7] =	dma.local [hbm:s6], s5  }
0x9e: {  	_ =	swait.ge [sflag:s7], s5  }
0x9f: {  	s5 =	ssub.s32 $0x0, s5;
	[sflag:s7] =	ssyncset.done $0x0  }
0xa0: {  	[sflag:s7] =	ssyncadd.s32 s5;
	_ =	sdelay $0x1  }
0xa1: {  	s23 =	simm.s32 $0x1B8B  }
0xa2: {  	_ =	swait.ge [sflag:s23], $0x1  }
0xa3: {  	[sflag:s23] =	ssyncset.done $0x0  }
0xa4: {  	[sflag:s23] =	ssyncadd.s32 $0xFFFFFFFF  }
0xa5: {  	s5 =	sld [smem:$0x0]  }
0xa6: {  	s6 =	sand.u32 $0xFFFFFFFE, s1  }
0xa7: {  	p0 =	sne.s32 s1, s6  }
0xa8: {  	s6 =	sshll.u32 @p0 s6, $0xE  }
0xa9: {  	s6 =	sadd.s32 @p0 $0x11B8D, s6;
	s7 =	sshll.u32 @p0 s5, $0x11  }
0xaa: {  	s6 =	sor.u32 @p0 s7, s6  }
0xab: {  	[sflag:s6] =	ssyncadd.remote.s32 @p0 $0x1;
	_ =	sdelay $0x1  }
0xac: {  	s6 =	simm.s32 @p0 $0x1B8D  }
0xad: {  	_ =	swait.eq @p0 [sflag:s6], $0x1  }
0xae: {  	[sflag:s6] =	ssyncadd.s32 @p0 $0xFFFFFFFF  }
0xaf: {  	s7 =	sshll.u32 @!p0 s1, $0xE  }
0xb0: {  	s7 =	sor.u32 @!p0 $0x4000, s7;
	s6 =	simm.s32 @!p0 $0x1B8D  }
0xb1: {  	s5 =	sshll.u32 @!p0 s5, $0x11;
	s7 =	sadd.s32 @!p0 $0x11B8D, s7;
	_ =	swait.eq @!p0 [sflag:s6], $0x1  }
0xb2: {  	s5 =	sor.u32 @!p0 s5, s7;
	[sflag:s6] =	ssyncadd.s32 @!p0 $0xFFFFFFFF  }
0xb3: {  	s25 =	simm.s32 $0x1B8E;
	s24 =	sld [smem:$0x3FFE];
	[sflag:s5] =	ssyncadd.remote.s32 @!p0 $0x1  }
0xb4: {  	s26 =	simm.s32 $execute0_lowered;
	[smem:$0x3FD2] =	sst s25  }
0xb5: {  	s6 =	sshll.u32 s26, $0x1;
	_ =	strace $0x80000049;
	[dreg:$0x1] =	wrdreg $0xFFFFFFFF  }
0xb6: {  	s28 =	simm.s32 $_size_execute0_lowered;
	s4 =	sadd.s32 s4, s6;
	[dreg:$0x0] =	wrdreg $0x0  }
0xb7: {  	s6 =	sshll.u32 s28, $0x1;
	[dreg:$0x2] =	wrdreg s4  }
0xb8: {  	[dreg:$0x3] =	wrdreg s6  }
0xb9: {  	[dreg:$0x4] =	wrdreg $0xC0  }
0xba: {  	_ =	task [dreg:s22], $0x5FFFF  }
0xbb: {  	[dreg:$0x1] =	wrdreg $0xFFFFFFFF  }
0xbc: {  	[dreg:$0x0] =	wrdreg $0x60  }
0xbd: {  	[dreg:$0x2] =	wrdreg s24  }
0xbe: {  	[dreg:$0x3] =	wrdreg s18  }
0xbf: {  	[dreg:$0x4] =	wrdreg $0x41000  }
0xc0: {  	[dreg:$0x5] =	wrdreg $0x9  }
0xc1: {  	_ =	task.clear_ibuf [dreg:s22], $0x6FFFF;
	_ =	strace $0x90000049  }
0xc2: {  	s29 =	simm.s32 $0x9;
	_ =	strace $0x8000004B  }
0xc3: {  	_ =	swait.ge [sflag:s29], $0x1  }
0xc4: {  	[sflag:s29] =	ssyncadd.s32 $0xFFFFFFFF  }
0xc5: {  	_ =	strace $0x9000004B  }
0xc6: {  	_ =	sfence  }
0xc7: {  	s30 =	sld [smem:$0x0];
	_ =	sdelay $0x2  }
0xc8: {  	s31 =	sshll.u32 s1, $0xD;
	s1 =	sshrl.u32 s1, $0x2  }
0xc9: {  	s4 =	sand.u32 $0x4000, s31;
	s1 =	sadd.s32 s1, s30  }
0xca: {  	s0 =	sor.u32 s4, s0;
	s1 =	sshll.u32 s1, $0x11  }
0xcb: {  	s0 =	sor.u32 s1, s0  }
0xcc: {  	s0 =	sadd.s32 $0x8F2B, s0  }
0xcd: {  	[sflag:s0] =	ssyncadd.remote.s32 $0x1  }
0xce: {  	_ =	sfence.sel $0xFFFF  }
0xcf: {  	[dreg:$0x0] =	wrdreg $0xFFFFFFFF;
	(pc) =	sbr.abs _section_cstart, $3  }
0xd0: {  	[dreg:$0x1] =	wrdreg $0xFFFFFFFF  }
0xd1: {  	_ =	task.clear_ibuf [dreg:s22], $0x2FFFF;
	_ =	strace $0x9FFFFFFF  }
0xd2: {  	(tm) =	ssettm $0x7FFFFFFF  }
0xd3: {  	_ =	shalt  }
tec
execute0_lowered:
.L_overlay_start_1:
0x0: {  	(tag) =	ssettag $0x1  }
0x1: {  	s4 =	rddreg [dreg:$0x0]  }
0x2: {  	s1 =	rddreg [dreg:$0x1]  }
0x3: {  	s2 =	rddreg [dreg:$0x2];
	s17 =	stileid.u32  }
0x4: {  	s0 =	rddreg [dreg:$0x3];
	s5 =	smul.u32 $0x2780, s17  }
0x5: {  	s3 =	simm.s32 $0x0;
	s6 =	srdreg.scid;
	s8 =	smul.u32 $0x4F000, s17  }
0x6: {  	s16 =	simm.s32 $0x2;
	[smem:$0x7FF] =	sst s3;
	s22 =	smul.u32 $0x13800, s17  }
0x7: {  	s10 =	sadd.s32 $0x2600, s4;
	s6 =	sand.u32 $0x1, s6;
	s23 =	smul.u32 $0x4E000, s17  }
0x8: {  	s9 =	sadd.s32 $0x96000, s4;
	s24 =	sshll.u32 s17, $0x6;
	s14 =	smul.u32 $0x5000, s17  }
0x9: {  	s19 =	sadd.s32 $0x138000, s2;
	p0 =	sne.s32 s17, $0x0;
	s11 =	smul.u32 $0x138800, s6  }
0xa: {  	_ =	strace $0x8000004A;
	s7 =	ssub.s32 $0x2, s6;
	s15 =	smul.u32 $0x2800, s6  }
0xb: {  	s5 =	sadd.s32 s5, s4;
	s20 =	sshrl.u32 s7, $0x1;
	s21 =	sshrl.u32 s8, $0x2  }
0xc: {  	s25 =	sshrl.u32 s23, $0x2;
	s12 =	ssub.s32 s7, s20;
	s13 =	sadd.s32 s21, s2  }
0xd: {  	s4 =	sadd.s32 $0x20600, s5;
	s7 =	sadd.s32 s22, s11;
	s5 =	sor.u32 $0x1C03, s24  }
0xe: {  	s26 =	sshrl.u32 s11, $0x3;
	s18 =	sadd.s32 s25, s2;
	s29 =	sadd.s32 s15, s14  }
0xf: {  	s14 =	simm.s32 $0x80;
	s15 =	simm.s32 $0x1;
	s7 =	sshrl.u32 s7, $0x3  }
0x10: {  	s28 =	sadd.s32 s9, s26;
	s30 =	sor.u32 $0x80, s29;
	s8 =	smax.u32 s12, $0x1  }
0x11: {  	s31 =	sshrl.u32 s29, $0x3;
	s12 =	simm.s32 $0x3;
	s17 =	sshrl.u32 s18, $0x3  }
0x12: {  	s18 =	sshrl.u32 @!p0 s19, $0x3;
	s19 =	simm.s32 $0x0;
	s11 =	sshrl.u32 s30, $0x3  }
0x13: {  	s6 =	sadd.s32 s9, s7;
	s7 =	sadd.s32 $0x27000, s28;
	s9 =	sadd.s32 s11, s10  }
0x14: {  	s10 =	sadd.s32 s31, s10;
	s11 =	sshrl.u32 s13, $0x3;
	s13 =	simm.s32 $0x100  }
.LBB2_1:
0x15: {  	[spmem:s11], [sflag:s5] =	dma.local [hbm:s4], $0x2780  }
0x16: {  	_ =	swait.ge [sflag:s12], $0x2780  }
0x17: {  	[sflag:s12] =	ssyncset.done $0x0  }
0x18: {  	[sflag:s12] =	ssyncadd.s32 $0xFFFFD880  }
0x19: {  	[tilespmem:s13], [sflag:$0x3] =	stream.linear.gather [hbm4b:s1+s3], $0x4000, $0x38;
	[tilespmem:$0x17D00] =	vst v63  }
0x1a: {  	_ =	swait.ge [sflag:s12], $0x4000  }
0x1b: {  	[sflag:s12] =	ssyncset.done $0x0  }
0x1c: {  	[sflag:s12] =	ssyncadd.s32 $0xFFFFC000  }
0x1d: {  	s20 =	sadd.s32 $0x0, s10;
	[bflag:$0x0] =	sbarrier.arrive $0xFFFF  }
0x1e: {  	[tilespmem:s3], [sflag:$0x1] =	stream.linear.gather [hbm4b:s20+s3], $0x80, $0x38;
	[tilespmem:$0x17D00] =	vst v63  }
0x1f: {  	s31 =	sadd.s32 $0x0, s9  }
0x20: {  	[tilespmem:s14], [sflag:$0x2] =	stream.linear.gather [hbm4b:s31+s3], $0x80, $0x38;
	[tilespmem:$0x17D00] =	vst v63  }
0x21: {  	_ =	swait.ge [sflag:s15], $0x80  }
0x22: {  	[sflag:s15] =	ssyncset.done $0x0  }
0x23: {  	[sflag:s15] =	ssyncadd.s32 $0xFFFFFF80  }
0x24: {  	[spmem:s2] =	stream.indirect.scatter.add.f32 [tilespmem:s13], [sflag:$0x3], $0x80, s3, s14, $0xb8;
	[tilespmem:$0x17D00] =	vst v63  }
0x25: {  	_ =	swait.ge [sflag:s12], $0x4000  }
0x26: {  	[sflag:s12] =	ssyncset.done $0x0  }
0x27: {  	[sflag:s12] =	ssyncadd.s32 $0xFFFFC000  }
0x28: {  	_ =	swait.ge [sflag:s16], $0x80  }
0x29: {  	[sflag:s16] =	ssyncset.done $0x0  }
0x2a: {  	[sflag:s16] =	ssyncadd.s32 $0xFFFFFF80  }
0x2b: {  	[spmem:s2] =	stream.indirect.scatter.add.f32 [tilespmem:s13], [sflag:$0x3], $0x80, s14, s14, $0xb8;
	[tilespmem:$0x17D00] =	vst v63  }
0x2c: {  	_ =	swait.ge [sflag:s12], $0x4000  }
0x2d: {  	s21 =	simm.s32 $0x40;
	s20 =	simm.s32 $0x20;
	[sflag:s12] =	ssyncset.done $0x0  }
.LBB2_2:
0x2e: {  	s22 =	sadd.s32 s20, s10  }
0x2f: {  	[sflag:s12] =	ssyncadd.s32 $0xFFFFC000;
	s23 =	smov.u32 s21;
	s24 =	sadd.s32 $0x20, s21  }
0x30: {  	[tilespmem:s3], [sflag:$0x1] =	stream.linear.gather [hbm4b:s22+s3], $0x80, $0x38;
	[tilespmem:$0x17D00] =	vst v63  }
0x31: {  	p1 =	sne.s32 s21, $0x4E0;
	s21 =	sadd.s32 s20, s9;
	s20 =	smov.u32 s23  }
0x32: {  	[tilespmem:s14], [sflag:$0x2] =	stream.linear.gather [hbm4b:s21+s3], $0x80, $0x38;
	[tilespmem:$0x17D00] =	vst v63  }
0x33: {  	_ =	swait.ge [sflag:s15], $0x80  }
0x34: {  	[sflag:s15] =	ssyncset.done $0x0  }
0x35: {  	[sflag:s15] =	ssyncadd.s32 $0xFFFFFF80  }
0x36: {  	[spmem:s2] =	stream.indirect.scatter.add.f32 [tilespmem:s13], [sflag:$0x3], $0x80, s3, s14, $0xb8;
	[tilespmem:$0x17D00] =	vst v63  }
0x37: {  	_ =	swait.ge [sflag:s12], $0x4000  }
0x38: {  	[sflag:s12] =	ssyncset.done $0x0  }
0x39: {  	[sflag:s12] =	ssyncadd.s32 $0xFFFFC000  }
0x3a: {  	_ =	swait.ge [sflag:s16], $0x80  }
.Ltmp0:
0x3b: {  	[sflag:s16] =	ssyncset.done $0x0;
	(pc) =	sbr.rel @p1 .LBB2_2-.Ltmp0, $4  }
0x3c: {  	[sflag:s16] =	ssyncadd.s32 $0xFFFFFF80  }
0x3d: {  	[spmem:s2] =	stream.indirect.scatter.add.f32 [tilespmem:s13], [sflag:$0x3], $0x80, s14, s14, $0xb8;
	[tilespmem:$0x17D00] =	vst v63  }
0x3e: {  	_ =	swait.ge [sflag:s12], $0x4000  }
0x3f: {  	s21 =	smov.u32 s24;
	[sflag:s12] =	ssyncset.done $0x0  }
0x40: {  	s21 =	sadd.s32 s20, s10;
	[sflag:s12] =	ssyncadd.s32 $0xFFFFC000  }
0x41: {  	[tilespmem:s3], [sflag:$0x1] =	stream.linear.gather [hbm4b:s21+s3], $0x80, $0x38;
	[tilespmem:$0x17D00] =	vst v63  }
0x42: {  	s31 =	sadd.s32 s20, s9  }
0x43: {  	[tilespmem:s14], [sflag:$0x2] =	stream.linear.gather [hbm4b:s31+s3], $0x80, $0x38;
	[tilespmem:$0x17D00] =	vst v63  }
0x44: {  	_ =	swait.ge [sflag:s15], $0x80  }
0x45: {  	[sflag:s15] =	ssyncset.done $0x0  }
0x46: {  	[sflag:s15] =	ssyncadd.s32 $0xFFFFFF80  }
0x47: {  	[spmem:s2] =	stream.indirect.scatter.add.f32 [tilespmem:s13], [sflag:$0x3], $0x80, s3, s14, $0xb8;
	[tilespmem:$0x17D00] =	vst v63  }
0x48: {  	_ =	swait.ge [sflag:s12], $0x4000  }
0x49: {  	[sflag:s12] =	ssyncset.done $0x0  }
0x4a: {  	[sflag:s12] =	ssyncadd.s32 $0xFFFFC000  }
0x4b: {  	_ =	swait.ge [sflag:s16], $0x80  }
0x4c: {  	[sflag:s16] =	ssyncset.done $0x0  }
0x4d: {  	[sflag:s16] =	ssyncadd.s32 $0xFFFFFF80  }
0x4e: {  	[spmem:s2] =	stream.indirect.scatter.add.f32 [tilespmem:s13], [sflag:$0x3], $0x80, s14, s14, $0xb8;
	[tilespmem:$0x17D00] =	vst v63  }
0x4f: {  	_ =	swait.ge [sflag:s12], $0x4000  }
0x50: {  	[sflag:s12] =	ssyncset.done $0x0  }
0x51: {  	[sflag:s12] =	ssyncadd.s32 $0xFFFFC000  }
0x52: {  	[bflag:$0x0] =	sbarrier.arrive $0xFFFF  }
0x53: {  	[hbm:s6], [sflag:s5] =	dma.local [spmem:s17], $0x2700  }
0x54: {  	s19 =	sadd.s32 $0x1, s19;
	_ =	swait.ge [sflag:s12], $0x2700  }
0x55: {  	p1 =	sne.s32 s19, s8;
	[sflag:s12] =	ssyncset.done $0x0  }
.Ltmp1:
0x56: {  	s20 =	simm.s32 @!p0 $0x3;
	[sflag:s12] =	ssyncadd.s32 $0xFFFFD900;
	(pc) =	sbr.rel @p1 .LBB2_1-.Ltmp1, $4  }
0x57: {  	[hbm:s7], [sflag:s5] =	dma.local @!p0 [spmem:s18], $0x100  }
0x58: {  	_ =	swait.ge @!p0 [sflag:s20], $0x100  }
0x59: {  	[sflag:s20] =	ssyncset.done @!p0 $0x0  }
0x5a: {  	[sflag:s20] =	ssyncadd.s32 @!p0 $0xFFFFFF00  }
0x5b: {  	_ =	sfence.sel $0x180000  }
0x5c: {  	[bflag:$0x0] =	sbarrier.arrive $0xFFFF  }
0x5d: {  	_ =	strace $0x9000004A  }
0x5e: {  	s0 =	sadd.s32 @!p0 $0x100000, s0;
	[bflag:$0x2] =	sbarrier.arrive $0xFFFF  }
0x5f: {  	[sflag:s0] =	ssyncadd.tile.s32 @!p0 $0x1;
	_ =	shalt  }
.Lfunc_end2:
_tile_overlayer_lowered:
.L_overlay_start_2:
0x60: {  	(tag) =	ssettag $0x2  }
0x61: {  	s0 =	rddreg [dreg:$0x0];
	s2 =	stileid.u32  }
0x62: {  	s1 =	rddreg [dreg:$0x1];
	p0 =	sne.s32 s2, $0x0  }
0x63: {  	s3 =	rddreg [dreg:$0x2];
	[bflag:$0x3] =	sbarrier.arrive $0xFFFF;
	s2 =	simm.s32 @!p0 $0x1C03  }
0x64: {  	[timem:s3], [sflag:s2] =	dma.local @!p0 [hbm:s0], s1  }
0x65: {  	s0 =	simm.s32 @!p0 $0x3  }
0x66: {  	_ =	swait.ge @!p0 [sflag:s0], s1  }
0x67: {  	s1 =	ssub.s32 @!p0 $0x0, s1;
	[sflag:s0] =	ssyncset.done @!p0 $0x0  }
0x68: {  	[sflag:s0] =	ssyncadd.s32 @!p0 s1  }
0x69: {  	[bflag:$0x3] =	sbarrier.arrive $0xFFFF  }
0x6a: {  	_ =	shalt  }

</sc_bundles>
